<compile_context>
chip_gen: v7x
topology: tpu7x:2x2x1
jax: 0.10.2.dev20260603
libtpu: 0.0.44.dev20260713+nightly
codegen_flags: <defaults>
</compile_context>

<pallas_src>
import functools

import jax
import jax.numpy as jnp
from jax import lax
from jax.experimental import pallas as pl
from jax.experimental.pallas import tpu as pltpu
from jax.experimental.pallas import tpu_sc as plsc

NC = 2
NS = 16


def _leaky(x, slope):
    return jnp.where(x >= 0, x, slope * x)



def _proj_body(te_ref, x_ref, wev_ref, bev_ref, gev_ref, beev_ref,
               wob_ref, bob_ref, gob_ref, beob_ref, wth_ref, bth_ref, o_ref):
    i = pl.program_id(0)
    blk = x_ref.shape[0]
    x = x_ref[...]
    he = _leaky(jnp.dot(x, wev_ref[...], preferred_element_type=jnp.float32)
                + bev_ref[...], 0.2)
    ho = _leaky(jnp.dot(x, wob_ref[...], preferred_element_type=jnp.float32)
                + bob_ref[...], 0.2)

    def ln(v, g, b):
        m = jnp.mean(v, axis=-1, keepdims=True)
        var = jnp.mean((v - m) ** 2, axis=-1, keepdims=True)
        return (v - m) / jnp.sqrt(var + 1e-5) * g + b

    he = ln(he, gev_ref[...], beev_ref[...])
    ho = ln(ho, gob_ref[...], beob_ref[...])
    row = i * blk + lax.broadcasted_iota(jnp.int32, (blk, 1), 0)
    sel = jnp.where(row < te_ref[0, 0], he, ho)
    o_ref[...] = (jnp.dot(sel, wth_ref[...], preferred_element_type=jnp.float32)
                  + bth_ref[...])


def _tc_proj(X, te, W_ev, b_ev, g_ev, be_ev, W_ob, b_ob, g_ob, be_ob, W_th, b_th):
    n, d = X.shape
    blk = 1000
    full = pl.BlockSpec((d, d), lambda i: (0, 0))
    vec = pl.BlockSpec((1, d), lambda i: (0, 0))
    return pl.pallas_call(
        _proj_body,
        grid=(n // blk,),
        in_specs=[
            pl.BlockSpec(memory_space=pltpu.SMEM),
            pl.BlockSpec((blk, d), lambda i: (i, 0)),
            full, vec, vec, vec,
            full, vec, vec, vec,
            full, vec,
        ],
        out_specs=pl.BlockSpec((blk, d), lambda i: (i, 0)),
        out_shape=jax.ShapeDtypeStruct((n, d), jnp.float32),
    )(te, X, W_ev, b_ev.reshape(1, d), g_ev.reshape(1, d), be_ev.reshape(1, d),
      W_ob, b_ob.reshape(1, d), g_ob.reshape(1, d), be_ob.reshape(1, d),
      W_th, b_th.reshape(1, d))



def _sc_pass(table, svals, idx_g, idx_s, nseg_pad, zrows, zvec, const_vals,
             K):
    nnz = idx_g.shape[0]
    d = table.shape[1]
    assert nnz % K == 0 and K % 8 == 0
    nchunks = nnz // K
    rps = nseg_pad // NS
    mesh = plsc.VectorSubcoreMesh(core_axis_name="c", subcore_axis_name="s")

    @functools.partial(
        pl.kernel,
        out_type=(jax.ShapeDtypeStruct((NC, nseg_pad, d), jnp.float32),
                  jax.ShapeDtypeStruct((NC, 8, nseg_pad), jnp.float32)),
        mesh=mesh,
        scratch_types=[
            [pltpu.VMEM((K,), jnp.int32)] * 2,
            [pltpu.VMEM((K,), jnp.int32)] * 2,
            [pltpu.VMEM((K, d), jnp.float32)] * 2,
            [pltpu.VMEM((K,), jnp.float32)] * 2,
            pltpu.VMEM_SHARED(((K if const_vals else svals.shape[0]),),
                              jnp.float32),
            pltpu.VMEM_SHARED((nseg_pad, d), jnp.float32),
            pltpu.VMEM_SHARED((nseg_pad,), jnp.float32),
            [pltpu.SemaphoreType.DMA] * 2,
            [pltpu.SemaphoreType.DMA] * 2,
            [pltpu.SemaphoreType.DMA] * 2,
            [pltpu.SemaphoreType.DMA] * 2,
            [pltpu.SemaphoreType.DMA] * 2,
            pltpu.SemaphoreType.DMA,
        ],
    )
    def k(table_h, sval_h, idxg_h, idxs_h, zrows_h, zvec_h,
          out_rows, out_v, idxg_v, idxs_v, rows_v, vals_v, sv_sh, acc, accv,
          semi, semr, semv, semsr, semsv, semz):
        c = lax.axis_index("c")
        s = lax.axis_index("s")
        r0 = s * rps
        z = pltpu.async_copy(zrows_h.at[pl.ds(r0, rps)], acc.at[pl.ds(r0, rps)],
                             semz)

        @pl.when(s == 0)
        def _():
            pltpu.sync_copy(zvec_h.at[pl.ds(0, nseg_pad)], accv)
        if const_vals:
            pltpu.sync_copy(sval_h.at[pl.ds(0, K)], vals_v[0])
            pltpu.sync_copy(sval_h.at[pl.ds(0, K)], vals_v[1])
        else:

            @pl.when(s == 0)
            def _():
                pltpu.sync_copy(sval_h, sv_sh)

        wid = c * NS + s
        ntile = (nchunks - wid + NC * NS - 1) // (NC * NS)

        def start_idx(b, i):
            base = (wid + (NC * NS) * i) * K
            pltpu.async_copy(idxg_h.at[pl.ds(base, K)], idxg_v[b], semi[b])
            pltpu.async_copy(idxs_h.at[pl.ds(base, K)], idxs_v[b], semi[b])

        def wait_idx(b):
            pltpu.make_async_copy(idxg_h.at[pl.ds(0, K)], idxg_v[b],
                                  semi[b]).wait()
            pltpu.make_async_copy(idxs_h.at[pl.ds(0, K)], idxs_v[b],
                                  semi[b]).wait()

        def start_gather(b):
            pltpu.async_copy(table_h.at[idxg_v[b]], rows_v[b], semr[b])
            if not const_vals:
                pltpu.async_copy(sv_sh.at[idxg_v[b]], vals_v[b], semv[b])

        def wait_gather(b):
            pltpu.make_async_copy(table_h.at[idxg_v[b]], rows_v[b],
                                  semr[b]).wait()
            if not const_vals:
                pltpu.make_async_copy(sv_sh.at[idxg_v[b]], vals_v[b],
                                      semv[b]).wait()

        def scatter(b):
            r = pltpu.async_copy(rows_v[b], acc.at[idxs_v[b]], semsr[b],
                                 add=True)
            v = pltpu.async_copy(vals_v[b], accv.at[idxs_v[b]], semsv[b],
                                 add=True)
            r.wait()
            v.wait()

        start_idx(0, 0)
        start_idx(1, 1)
        wait_idx(0)
        pltpu.async_copy(table_h.at[idxg_v[0]], rows_v[0], semr[0])
        z.wait()
        plsc.subcore_barrier()
        if not const_vals:
            pltpu.async_copy(sv_sh.at[idxg_v[0]], vals_v[0], semv[0])

        def body(i, carry):
            for b in (0, 1):
                nb = 1 - b

                @pl.when(lax.rem(i, 2) == b)
                def _():
                    @pl.when(i + 1 < ntile)
                    def _():
                        wait_idx(nb)
                        start_gather(nb)

                    wait_gather(b)
                    scatter(b)

                    @pl.when(i + 2 < ntile)
                    def _():
                        start_idx(b, i + 2)

            return carry

        lax.fori_loop(0, ntile, body, 0)
        plsc.subcore_barrier()
        pltpu.sync_copy(acc.at[pl.ds(r0, rps)], out_rows.at[c, pl.ds(r0, rps)])

        @pl.when(s == 0)
        def _():
            pltpu.sync_copy(accv, out_v.at[c, 0])

    return k(table, svals, idx_g, idx_s, zrows, zvec)



def _mid_body(sp_ref, cp_ref, ae_ref, ytil_ref, exe_ref):
    p = sp_ref[0] + sp_ref[1]
    c = cp_ref[0, 0] + cp_ref[1, 0]
    y = p / jnp.maximum(c, 1.0)[:, None]
    alpha = jnp.dot(y, ae_ref[...], preferred_element_type=jnp.float32)
    sc = _leaky(alpha, 0.2) * 5.0
    g = jnp.max(sc)
    exe = jnp.exp(sc - g)
    exe_ref[...] = exe
    ytil_ref[...] = y * exe


def _tc_mid(sp, cp, a_e):
    ncc, ep, d = sp.shape
    return pl.pallas_call(
        _mid_body,
        out_shape=(jax.ShapeDtypeStruct((ep, d), jnp.float32),
                   jax.ShapeDtypeStruct((ep, 1), jnp.float32)),
    )(sp, cp, a_e.reshape(d, 1))



def _out_body(zp_ref, dp_ref, o_ref):
    z = zp_ref[0] + zp_ref[1]
    den = (dp_ref[0, 0] + dp_ref[1, 0])[:, None]
    pos = den > 0
    xo = jnp.where(pos, z / jnp.where(pos, den, 1.0), 0.0)
    o_ref[...] = jnp.where(xo > 0, xo, jnp.exp(jnp.minimum(xo, 0.0)) - 1.0)


def _tc_out(zp, dp):
    ncc, npad, d = zp.shape
    return pl.pallas_call(
        _out_body,
        out_shape=jax.ShapeDtypeStruct((npad, d), jnp.float32),
    )(zp, dp)



def kernel(X, pair_v, pair_e, total_events, W_ev, b_ev, g_ev, be_ev,
           W_ob, b_ob, g_ob, be_ob, W_th, b_th, a_e):
    n, d = X.shape
    ep = 5120
    npad = 10112

    te = jnp.asarray(total_events, jnp.int32).reshape(1, 1)
    X1 = _tc_proj(X, te, W_ev, b_ev, g_ev, be_ev, W_ob, b_ob, g_ob, be_ob,
                  W_th, b_th)

    zrows = jnp.zeros((npad, d), jnp.float32)
    zvec = jnp.zeros((npad,), jnp.float32)
    ones = jnp.ones((n,), jnp.float32)

    sp, cp = _sc_pass(X1, ones, pair_v, pair_e, ep, zrows, zvec, True, 320)
    ytil, exe = _tc_mid(sp, cp, a_e)
    zp, dp = _sc_pass(ytil, exe.reshape(ep), pair_e, pair_v, npad, zrows, zvec,
                      False, 160)
    out = _tc_out(zp, dp)
    return out[:n]

# --- scband reference (transcript-rebuilt; emitter-appended) ---
"""Pipeline reference for scband-hetero-hgatconv-90022514524491 (READ-ONLY COPY).

The authoritative reference and input builder live on the scoring server;
editing this copy changes nothing except your own understanding.
"""

import jax, jax.numpy as jnp
import numpy as np

N = 10000
E = 5000
NNZ = 320000
D = 128


def _leaky(x, slope):
    return jnp.where(x >= 0, x, slope * x)


def _elu(x):
    return jnp.where(x > 0, x, jnp.exp(jnp.minimum(x, 0.0)) - 1.0)


def _layernorm(x, g, b, eps=1e-5):
    m = jnp.mean(x, axis=-1, keepdims=True)
    v = jnp.mean((x - m) ** 2, axis=-1, keepdims=True)
    return (x - m) / jnp.sqrt(v + eps) * g + b


def setup_inputs(seed: int = 0) -> dict:
    key = jax.random.key(seed)
    ks = jax.random.split(key, 20)
    s = 1.0 / np.sqrt(D)
    inp = {}
    inp['X'] = jax.random.normal(ks[0], (N, D), dtype=jnp.float32)
    inp['pair_v'] = jax.random.randint(ks[1], (NNZ,), 0, N, dtype=jnp.int32)
    inp['pair_e'] = jax.random.randint(ks[2], (NNZ,), 0, E, dtype=jnp.int32)
    inp['total_events'] = 4000
    # event_proj: Linear(D,D) + LeakyReLU + LayerNorm (+Dropout: eval identity)
    inp['W_ev'] = jax.random.uniform(ks[3], (D, D), jnp.float32, -s, s)
    inp['b_ev'] = jax.random.uniform(ks[4], (D,), jnp.float32, -s, s)
    inp['g_ev'] = jnp.ones((D,), jnp.float32)
    inp['be_ev'] = jnp.zeros((D,), jnp.float32)
    # object_proj
    inp['W_ob'] = jax.random.uniform(ks[5], (D, D), jnp.float32, -s, s)
    inp['b_ob'] = jax.random.uniform(ks[6], (D,), jnp.float32, -s, s)
    inp['g_ob'] = jnp.ones((D,), jnp.float32)
    inp['be_ob'] = jnp.zeros((D,), jnp.float32)
    # UniGATConv1: theta Linear(D,D,bias=True), atten_e Linear(D,1,bias=False)
    inp['W_th'] = jax.random.uniform(ks[7], (D, D), jnp.float32, -s, s)
    inp['b_th'] = jax.random.uniform(ks[8], (D,), jnp.float32, -s, s)
    inp['a_e'] = jax.random.uniform(ks[9], (D,), jnp.float32, -s, s)
    return inp


def reference(X, pair_v, pair_e, total_events, W_ev, b_ev, g_ev, be_ev, W_ob, b_ob, g_ob, be_ob, W_th, b_th, a_e):
    # HeteroHGATConv.forward (eval mode: dropouts are identity)
    H_e_full = _layernorm(_leaky(X @ W_ev + b_ev, 0.2), g_ev, be_ev)
    H_o_full = _layernorm(_leaky(X @ W_ob + b_ob, 0.2), g_ob, be_ob)
    is_event = jnp.arange(N)[:, None] < total_events
    X_h = jnp.where(is_event, H_e_full, H_o_full)
    # UniGATConv1.forward
    X1 = X_h @ W_th + b_th
    # hg.v2e(X1, aggr='mean'): mean of incident vertex features per hyperedge
    sums = jax.ops.segment_sum(X1[pair_v], pair_e, num_segments=E)
    cnt = jax.ops.segment_sum(jnp.ones((NNZ,), jnp.float32), pair_e, num_segments=E)
    Y = sums / jnp.clip(cnt, 1.0)[:, None]
    # attention scores per incidence pair
    alpha_e = Y @ a_e  # [E]
    sc = _leaky(alpha_e[pair_e], 0.2) * 5.0  # temperature = 5.0; atten_dropout identity
    # hg.e2v(Y, aggr='softmax_then_sum', e2v_weight=sc): softmax over incident edges per dst vertex
    mx = jax.ops.segment_max(sc, pair_v, num_segments=N)
    ex = jnp.exp(sc - mx[pair_v])
    den = jax.ops.segment_sum(ex, pair_v, num_segments=N)
    w = ex / den[pair_v]
    X_out = jax.ops.segment_sum(w[:, None] * Y[pair_e], pair_v, num_segments=N)
    # is_last=False -> ELU; bn is None
    out = _elu(X_out)
    return out

if __name__ == "__main__":
    import jax
    _d = setup_inputs()
    print(jax.jit(kernel)(*tuple(_d.values())))

</pallas_src>

<mosaic_0001>
#map = affine_map<(d0, d1) -> (0, 0)>
#map1 = affine_map<(d0, d1) -> (0)>
#map2 = affine_map<(d0, d1) -> (0, 0, 0)>
module attributes {stable_mosaic.version = 14 : i64} {
  func.func @k(%arg0: i32, %arg1: i32, %arg2: memref<10000x128xf32, #tpu.memory_space<hbm>>, %arg3: memref<10000xf32, #tpu.memory_space<hbm>>, %arg4: memref<320000xi32, #tpu.memory_space<hbm>>, %arg5: memref<320000xi32, #tpu.memory_space<hbm>>, %arg6: memref<10112x128xf32, #tpu.memory_space<hbm>>, %arg7: memref<10112xf32, #tpu.memory_space<hbm>>, %arg8: memref<2x5120x128xf32, #tpu.memory_space<hbm>>, %arg9: memref<2x8x5120xf32, #tpu.memory_space<hbm>>, %arg10: memref<320xi32, #tpu.memory_space<vmem>>, %arg11: memref<320xi32, #tpu.memory_space<vmem>>, %arg12: memref<320xi32, #tpu.memory_space<vmem>>, %arg13: memref<320xi32, #tpu.memory_space<vmem>>, %arg14: memref<320x128xf32, #tpu.memory_space<vmem>>, %arg15: memref<320x128xf32, #tpu.memory_space<vmem>>, %arg16: memref<320xf32, #tpu.memory_space<vmem>>, %arg17: memref<320xf32, #tpu.memory_space<vmem>>, %arg18: memref<320xf32, #tpu.memory_space<vmem_shared>>, %arg19: memref<5120x128xf32, #tpu.memory_space<vmem_shared>>, %arg20: memref<5120xf32, #tpu.memory_space<vmem_shared>>, %arg21: memref<!tpu.dma_semaphore, #tpu.memory_space<semaphore_mem>>, %arg22: memref<!tpu.dma_semaphore, #tpu.memory_space<semaphore_mem>>, %arg23: memref<!tpu.dma_semaphore, #tpu.memory_space<semaphore_mem>>, %arg24: memref<!tpu.dma_semaphore, #tpu.memory_space<semaphore_mem>>, %arg25: memref<!tpu.dma_semaphore, #tpu.memory_space<semaphore_mem>>, %arg26: memref<!tpu.dma_semaphore, #tpu.memory_space<semaphore_mem>>, %arg27: memref<!tpu.dma_semaphore, #tpu.memory_space<semaphore_mem>>, %arg28: memref<!tpu.dma_semaphore, #tpu.memory_space<semaphore_mem>>, %arg29: memref<!tpu.dma_semaphore, #tpu.memory_space<semaphore_mem>>, %arg30: memref<!tpu.dma_semaphore, #tpu.memory_space<semaphore_mem>>, %arg31: memref<!tpu.dma_semaphore, #tpu.memory_space<semaphore_mem>>) attributes {dimension_semantics = [#tpu.dimension_semantics<core_parallel>, #tpu.dimension_semantics<subcore_parallel>], iteration_bounds = array<i64: 2, 16>, scalar_prefetch = 0 : i64, scratch_operands = 22 : i64, tpu.core_type = #tpu.core_type<sc_vector_subcore>, window_params = [{transform_indices = #map}, {transform_indices = #map1}, {transform_indices = #map1}, {transform_indices = #map1}, {transform_indices = #map}, {transform_indices = #map1}, {transform_indices = #map2}, {transform_indices = #map2}]} {
    %mul3A = arith.constant 320 : i32
    %mul3A_0 = arith.muli %arg1, %mul3A : i32
    %dma_start3A = arith.constant 0 : i32
    %dma_start3A_1 = tpu.memref_slice %arg19[%mul3A_0, %dma_start3A] : memref<5120x128xf32, #tpu.memory_space<vmem_shared>> -> memref<320x128xf32, #tpu.memory_space<vmem_shared>>
    %dma_start3A_2 = arith.constant 0 : i32
    %dma_start3A_3 = tpu.memref_slice %arg6[%mul3A_0, %dma_start3A_2] : memref<10112x128xf32, #tpu.memory_space<hbm>> -> memref<320x128xf32, #tpu.memory_space<hbm>>
    tpu.enqueue_dma source(%dma_start3A_3 : memref<320x128xf32, #tpu.memory_space<hbm>>) target(%dma_start3A_1 : memref<320x128xf32, #tpu.memory_space<vmem_shared>>) target_semaphore(%arg31 : memref<!tpu.dma_semaphore, #tpu.memory_space<semaphore_mem>>)
    %eq3A = arith.constant 0 : i32
    %eq3A_4 = arith.cmpi eq, %arg1, %eq3A : i32
    %convert_element_type3A = arith.extui %eq3A_4 : i1 to i32
    %cond3A = arith.constant 0 : i32
    %cond3A_5 = arith.cmpi ne, %convert_element_type3A, %cond3A : i32
    scf.if %cond3A_5 {
      "tpu.region"() ({
        %run_scoped3A = tpu.sem_alloc : memref<!tpu.dma_semaphore, #tpu.memory_space<semaphore_mem>>
        %dma_start3A_75 = arith.constant 0 : i32
        %dma_start3A_76 = tpu.memref_slice %arg7[%dma_start3A_75] : memref<10112xf32, #tpu.memory_space<hbm>> -> memref<5120xf32, #tpu.memory_space<hbm>>
        tpu.enqueue_dma source(%dma_start3A_76 : memref<5120xf32, #tpu.memory_space<hbm>>) target(%arg20 : memref<5120xf32, #tpu.memory_space<vmem_shared>>) target_semaphore(%run_scoped3A : memref<!tpu.dma_semaphore, #tpu.memory_space<semaphore_mem>>)
        %dma_wait3A_77 = arith.constant 0 : i32
        %dma_wait3A_78 = tpu.memref_slice %arg7[%dma_wait3A_77] : memref<10112xf32, #tpu.memory_space<hbm>> -> memref<5120xf32, #tpu.memory_space<hbm>>
        tpu.wait_dma2 semaphore(%run_scoped3A : memref<!tpu.dma_semaphore, #tpu.memory_space<semaphore_mem>>) src(%dma_wait3A_78 : memref<5120xf32, #tpu.memory_space<hbm>>) dst(%arg20 : memref<5120xf32, #tpu.memory_space<vmem_shared>>)
        tpu.yield
      }) : () -> ()
    } else {
    }
    "tpu.region"() ({
      %run_scoped3A = tpu.sem_alloc : memref<!tpu.dma_semaphore, #tpu.memory_space<semaphore_mem>>
      %dma_start3A_75 = arith.constant 0 : i32
      %dma_start3A_76 = tpu.memref_slice %arg3[%dma_start3A_75] : memref<10000xf32, #tpu.memory_space<hbm>> -> memref<320xf32, #tpu.memory_space<hbm>>
      %dma_start3A_77 = arith.constant 0 : i32
      %dma_start3A_78 = tpu.memref_slice %arg3[%dma_start3A_77] : memref<10000xf32, #tpu.memory_space<hbm>> -> memref<320xf32, #tpu.memory_space<hbm>>
      tpu.enqueue_dma source(%dma_start3A_78 : memref<320xf32, #tpu.memory_space<hbm>>) target(%arg16 : memref<320xf32, #tpu.memory_space<vmem>>) target_semaphore(%run_scoped3A : memref<!tpu.dma_semaphore, #tpu.memory_space<semaphore_mem>>)
      %dma_wait3A_79 = arith.constant 0 : i32
      %dma_wait3A_80 = tpu.memref_slice %arg3[%dma_wait3A_79] : memref<10000xf32, #tpu.memory_space<hbm>> -> memref<320xf32, #tpu.memory_space<hbm>>
      %dma_wait3A_81 = arith.constant 0 : i32
      %dma_wait3A_82 = tpu.memref_slice %arg3[%dma_wait3A_81] : memref<10000xf32, #tpu.memory_space<hbm>> -> memref<320xf32, #tpu.memory_space<hbm>>
      tpu.wait_dma2 semaphore(%run_scoped3A : memref<!tpu.dma_semaphore, #tpu.memory_space<semaphore_mem>>) src(%dma_wait3A_82 : memref<320xf32, #tpu.memory_space<hbm>>) dst(%arg16 : memref<320xf32, #tpu.memory_space<vmem>>)
      tpu.yield
    }) : () -> ()
    "tpu.region"() ({
      %run_scoped3A = tpu.sem_alloc : memref<!tpu.dma_semaphore, #tpu.memory_space<semaphore_mem>>
      %dma_start3A_75 = arith.constant 0 : i32
      %dma_start3A_76 = tpu.memref_slice %arg3[%dma_start3A_75] : memref<10000xf32, #tpu.memory_space<hbm>> -> memref<320xf32, #tpu.memory_space<hbm>>
      %dma_start3A_77 = arith.constant 0 : i32
      %dma_start3A_78 = tpu.memref_slice %arg3[%dma_start3A_77] : memref<10000xf32, #tpu.memory_space<hbm>> -> memref<320xf32, #tpu.memory_space<hbm>>
      tpu.enqueue_dma source(%dma_start3A_78 : memref<320xf32, #tpu.memory_space<hbm>>) target(%arg17 : memref<320xf32, #tpu.memory_space<vmem>>) target_semaphore(%run_scoped3A : memref<!tpu.dma_semaphore, #tpu.memory_space<semaphore_mem>>)
      %dma_wait3A_79 = arith.constant 0 : i32
      %dma_wait3A_80 = tpu.memref_slice %arg3[%dma_wait3A_79] : memref<10000xf32, #tpu.memory_space<hbm>> -> memref<320xf32, #tpu.memory_space<hbm>>
      %dma_wait3A_81 = arith.constant 0 : i32
      %dma_wait3A_82 = tpu.memref_slice %arg3[%dma_wait3A_81] : memref<10000xf32, #tpu.memory_space<hbm>> -> memref<320xf32, #tpu.memory_space<hbm>>
      tpu.wait_dma2 semaphore(%run_scoped3A : memref<!tpu.dma_semaphore, #tpu.memory_space<semaphore_mem>>) src(%dma_wait3A_82 : memref<320xf32, #tpu.memory_space<hbm>>) dst(%arg17 : memref<320xf32, #tpu.memory_space<vmem>>)
      tpu.yield
    }) : () -> ()
    %mul3A_6 = arith.constant 16 : i32
    %mul3A_7 = arith.muli %arg0, %mul3A_6 : i32
    %add3A = arith.addi %mul3A_7, %arg1 : i32
    %sub3A = arith.constant 1000 : i32
    %sub3A_8 = arith.subi %sub3A, %add3A : i32
    %add3A_9 = arith.constant 32 : i32
    %add3A_10 = arith.addi %sub3A_8, %add3A_9 : i32
    %sub3A_11 = arith.constant 1 : i32
    %sub3A_12 = arith.subi %add3A_10, %sub3A_11 : i32
    %jit3A = arith.constant 32 : i32
    %div3A = arith.divsi %sub3A_12, %jit3A : i32
    %sign3A = arith.constant 0 : i32
    %sign3A_13 = arith.cmpi sgt, %sub3A_12, %sign3A : i32
    %sign3A_14 = arith.extui %sign3A_13 : i1 to i32
    %sign3A_15 = arith.constant 0 : i32
    %sign3A_16 = arith.cmpi slt, %sub3A_12, %sign3A_15 : i32
    %sign3A_17 = arith.extui %sign3A_16 : i1 to i32
    %sign3A_18 = arith.subi %sign3A_14, %sign3A_17 : i32
    %sign3A_19 = arith.constant 0 : i32
    %sign3A_20 = arith.cmpi sgt, %jit3A, %sign3A_19 : i32
    %sign3A_21 = arith.extui %sign3A_20 : i1 to i32
    %sign3A_22 = arith.constant 0 : i32
    %sign3A_23 = arith.cmpi slt, %jit3A, %sign3A_22 : i32
    %sign3A_24 = arith.extui %sign3A_23 : i1 to i32
    %sign3A_25 = arith.subi %sign3A_21, %sign3A_24 : i32
    %ne3A = arith.cmpi ne, %sign3A_18, %sign3A_25 : i32
    %rem3A = arith.remsi %sub3A_12, %jit3A : i32
    %ne3A_26 = arith.constant 0 : i32
    %ne3A_27 = arith.cmpi ne, %rem3A, %ne3A_26 : i32
    %and3A = arith.andi %ne3A, %ne3A_27 : i1
    %sub3A_28 = arith.constant 1 : i32
    %sub3A_29 = arith.subi %div3A, %sub3A_28 : i32
    %select_n3A = arith.select %and3A, %sub3A_29, %div3A : i32
    %add3A_30 = arith.constant 0 : i32
    %add3A_31 = arith.addi %add3A, %add3A_30 : i32
    %mul3A_32 = arith.constant 320 : i32
    %mul3A_33 = arith.muli %add3A_31, %mul3A_32 : i32
    %dma_start3A_34 = tpu.memref_slice %arg4[%mul3A_33] : memref<320000xi32, #tpu.memory_space<hbm>> -> memref<320xi32, #tpu.memory_space<hbm>>
    %dma_start3A_35 = tpu.memref_slice %arg4[%mul3A_33] : memref<320000xi32, #tpu.memory_space<hbm>> -> memref<320xi32, #tpu.memory_space<hbm>>
    tpu.enqueue_dma source(%dma_start3A_35 : memref<320xi32, #tpu.memory_space<hbm>>) target(%arg10 : memref<320xi32, #tpu.memory_space<vmem>>) target_semaphore(%arg21 : memref<!tpu.dma_semaphore, #tpu.memory_space<semaphore_mem>>)
    %dma_start3A_36 = tpu.memref_slice %arg5[%mul3A_33] : memref<320000xi32, #tpu.memory_space<hbm>> -> memref<320xi32, #tpu.memory_space<hbm>>
    %dma_start3A_37 = tpu.memref_slice %arg5[%mul3A_33] : memref<320000xi32, #tpu.memory_space<hbm>> -> memref<320xi32, #tpu.memory_space<hbm>>
    tpu.enqueue_dma source(%dma_start3A_37 : memref<320xi32, #tpu.memory_space<hbm>>) target(%arg12 : memref<320xi32, #tpu.memory_space<vmem>>) target_semaphore(%arg21 : memref<!tpu.dma_semaphore, #tpu.memory_space<semaphore_mem>>)
    %add3A_38 = arith.constant 32 : i32
    %add3A_39 = arith.addi %add3A, %add3A_38 : i32
    %mul3A_40 = arith.constant 320 : i32
    %mul3A_41 = arith.muli %add3A_39, %mul3A_40 : i32
    %dma_start3A_42 = tpu.memref_slice %arg4[%mul3A_41] : memref<320000xi32, #tpu.memory_space<hbm>> -> memref<320xi32, #tpu.memory_space<hbm>>
    %dma_start3A_43 = tpu.memref_slice %arg4[%mul3A_41] : memref<320000xi32, #tpu.memory_space<hbm>> -> memref<320xi32, #tpu.memory_space<hbm>>
    tpu.enqueue_dma source(%dma_start3A_43 : memref<320xi32, #tpu.memory_space<hbm>>) target(%arg11 : memref<320xi32, #tpu.memory_space<vmem>>) target_semaphore(%arg22 : memref<!tpu.dma_semaphore, #tpu.memory_space<semaphore_mem>>)
    %dma_start3A_44 = tpu.memref_slice %arg5[%mul3A_41] : memref<320000xi32, #tpu.memory_space<hbm>> -> memref<320xi32, #tpu.memory_space<hbm>>
    %dma_start3A_45 = tpu.memref_slice %arg5[%mul3A_41] : memref<320000xi32, #tpu.memory_space<hbm>> -> memref<320xi32, #tpu.memory_space<hbm>>
    tpu.enqueue_dma source(%dma_start3A_45 : memref<320xi32, #tpu.memory_space<hbm>>) target(%arg13 : memref<320xi32, #tpu.memory_space<vmem>>) target_semaphore(%arg22 : memref<!tpu.dma_semaphore, #tpu.memory_space<semaphore_mem>>)
    %dma_wait3A = arith.constant 0 : i32
    %dma_wait3A_46 = tpu.memref_slice %arg4[%dma_wait3A] : memref<320000xi32, #tpu.memory_space<hbm>> -> memref<320xi32, #tpu.memory_space<hbm>>
    %dma_wait3A_47 = arith.constant 0 : i32
    %dma_wait3A_48 = tpu.memref_slice %arg4[%dma_wait3A_47] : memref<320000xi32, #tpu.memory_space<hbm>> -> memref<320xi32, #tpu.memory_space<hbm>>
    tpu.wait_dma2 semaphore(%arg21 : memref<!tpu.dma_semaphore, #tpu.memory_space<semaphore_mem>>) src(%dma_wait3A_48 : memref<320xi32, #tpu.memory_space<hbm>>) dst(%arg10 : memref<320xi32, #tpu.memory_space<vmem>>)
    %dma_wait3A_49 = arith.constant 0 : i32
    %dma_wait3A_50 = tpu.memref_slice %arg5[%dma_wait3A_49] : memref<320000xi32, #tpu.memory_space<hbm>> -> memref<320xi32, #tpu.memory_space<hbm>>
    %dma_wait3A_51 = arith.constant 0 : i32
    %dma_wait3A_52 = tpu.memref_slice %arg5[%dma_wait3A_51] : memref<320000xi32, #tpu.memory_space<hbm>> -> memref<320xi32, #tpu.memory_space<hbm>>
    tpu.wait_dma2 semaphore(%arg21 : memref<!tpu.dma_semaphore, #tpu.memory_space<semaphore_mem>>) src(%dma_wait3A_52 : memref<320xi32, #tpu.memory_space<hbm>>) dst(%arg12 : memref<320xi32, #tpu.memory_space<vmem>>)
    %dma_start3A_53 = arith.constant 0 : i32
    %dma_start3A_54 = arith.constant 0 : i32
    %dma_start3A_55 = tpu.memref_slice %arg2[%dma_start3A_53, %dma_start3A_54] : memref<10000x128xf32, #tpu.memory_space<hbm>> -> memref<10000x128xf32, #tpu.memory_space<hbm>>
    tpu.enqueue_indirect_dma source(%dma_start3A_55 : memref<10000x128xf32, #tpu.memory_space<hbm>>) target(%arg14 : memref<320x128xf32, #tpu.memory_space<vmem>>) offsets(%arg10 : memref<320xi32, #tpu.memory_space<vmem>>) semaphore(%arg23 : memref<!tpu.dma_semaphore, #tpu.memory_space<semaphore_mem>>)
    %dma_wait3A_56 = arith.constant 0 : i32
    %dma_wait3A_57 = tpu.memref_slice %arg19[%mul3A_0, %dma_wait3A_56] : memref<5120x128xf32, #tpu.memory_space<vmem_shared>> -> memref<320x128xf32, #tpu.memory_space<vmem_shared>>
    %dma_wait3A_58 = arith.constant 0 : i32
    %dma_wait3A_59 = tpu.memref_slice %arg6[%mul3A_0, %dma_wait3A_58] : memref<10112x128xf32, #tpu.memory_space<hbm>> -> memref<320x128xf32, #tpu.memory_space<hbm>>
    tpu.wait_dma2 semaphore(%arg31 : memref<!tpu.dma_semaphore, #tpu.memory_space<semaphore_mem>>) src(%dma_wait3A_59 : memref<320x128xf32, #tpu.memory_space<hbm>>) dst(%dma_wait3A_57 : memref<320x128xf32, #tpu.memory_space<vmem_shared>>)
    %barrier3A = arith.constant 0 : index
    tpu.barrier barrier_id(%barrier3A)
    %while3A = arith.constant 0 : i32
    %while3A_60 = arith.constant 0 : i32
    %while3A_61 = arith.subi %select_n3A, %while3A_60 : i32
    %while3A_62 = arith.addi %while3A_60, %while3A_61 : i32
    %while3A_63 = arith.constant 1 : i32
    %while3A_64 = arith.divsi %while3A_61, %while3A_63 : i32
    %while3A_65 = arith.muli %while3A_64, %while3A_63 : i32
    %while3A_66 = arith.addi %while3A_60, %while3A_65 : i32
    %while3A_67 = arith.constant 1 : i32
    scf.for %while3A_75 = %while3A_60 to %while3A_66 step %while3A_67  : i32 {
      %rem3A_76 = arith.constant 2 : i32
      %rem3A_77 = arith.remsi %while3A_75, %rem3A_76 : i32
      %eq3A_78 = arith.constant 0 : i32
      %eq3A_79 = arith.cmpi eq, %rem3A_77, %eq3A_78 : i32
      %convert_element_type3A_80 = arith.extui %eq3A_79 : i1 to i32
      %cond3A_81 = arith.constant 0 : i32
      %cond3A_82 = arith.cmpi ne, %convert_element_type3A_80, %cond3A_81 : i32
      scf.if %cond3A_82 {
        %add3A_90 = arith.constant 1 : i32
        %add3A_91 = arith.addi %while3A_75, %add3A_90 : i32
        %lt3A = arith.cmpi slt, %add3A_91, %select_n3A : i32
        %convert_element_type3A_92 = arith.extui %lt3A : i1 to i32
        %cond3A_93 = arith.constant 0 : i32
        %cond3A_94 = arith.cmpi ne, %convert_element_type3A_92, %cond3A_93 : i32
        scf.if %cond3A_94 {
          %dma_wait3A_114 = arith.constant 0 : i32
          %dma_wait3A_115 = tpu.memref_slice %arg4[%dma_wait3A_114] : memref<320000xi32, #tpu.memory_space<hbm>> -> memref<320xi32, #tpu.memory_space<hbm>>
          %dma_wait3A_116 = arith.constant 0 : i32
          %dma_wait3A_117 = tpu.memref_slice %arg4[%dma_wait3A_116] : memref<320000xi32, #tpu.memory_space<hbm>> -> memref<320xi32, #tpu.memory_space<hbm>>
          tpu.wait_dma2 semaphore(%arg22 : memref<!tpu.dma_semaphore, #tpu.memory_space<semaphore_mem>>) src(%dma_wait3A_117 : memref<320xi32, #tpu.memory_space<hbm>>) dst(%arg11 : memref<320xi32, #tpu.memory_space<vmem>>)
          %dma_wait3A_118 = arith.constant 0 : i32
          %dma_wait3A_119 = tpu.memref_slice %arg5[%dma_wait3A_118] : memref<320000xi32, #tpu.memory_space<hbm>> -> memref<320xi32, #tpu.memory_space<hbm>>
          %dma_wait3A_120 = arith.constant 0 : i32
          %dma_wait3A_121 = tpu.memref_slice %arg5[%dma_wait3A_120] : memref<320000xi32, #tpu.memory_space<hbm>> -> memref<320xi32, #tpu.memory_space<hbm>>
          tpu.wait_dma2 semaphore(%arg22 : memref<!tpu.dma_semaphore, #tpu.memory_space<semaphore_mem>>) src(%dma_wait3A_121 : memref<320xi32, #tpu.memory_space<hbm>>) dst(%arg13 : memref<320xi32, #tpu.memory_space<vmem>>)
          %dma_start3A_122 = arith.constant 0 : i32
          %dma_start3A_123 = arith.constant 0 : i32
          %dma_start3A_124 = tpu.memref_slice %arg2[%dma_start3A_122, %dma_start3A_123] : memref<10000x128xf32, #tpu.memory_space<hbm>> -> memref<10000x128xf32, #tpu.memory_space<hbm>>
          tpu.enqueue_indirect_dma source(%dma_start3A_124 : memref<10000x128xf32, #tpu.memory_space<hbm>>) target(%arg15 : memref<320x128xf32, #tpu.memory_space<vmem>>) offsets(%arg11 : memref<320xi32, #tpu.memory_space<vmem>>) semaphore(%arg24 : memref<!tpu.dma_semaphore, #tpu.memory_space<semaphore_mem>>)
        } else {
        }
        %dma_wait3A_95 = arith.constant 0 : i32
        %dma_wait3A_96 = arith.constant 0 : i32
        %dma_wait3A_97 = tpu.memref_slice %arg2[%dma_wait3A_95, %dma_wait3A_96] : memref<10000x128xf32, #tpu.memory_space<hbm>> -> memref<10000x128xf32, #tpu.memory_space<hbm>>
        tpu.wait_indirect_dma semaphore(%arg23 : memref<!tpu.dma_semaphore, #tpu.memory_space<semaphore_mem>>) src(%dma_wait3A_97 : memref<10000x128xf32, #tpu.memory_space<hbm>>) dst(%arg14 : memref<320x128xf32, #tpu.memory_space<vmem>>)
        %dma_start3A_98 = arith.constant 0 : i32
        %dma_start3A_99 = arith.constant 0 : i32
        %dma_start3A_100 = tpu.memref_slice %arg19[%dma_start3A_98, %dma_start3A_99] : memref<5120x128xf32, #tpu.memory_space<vmem_shared>> -> memref<5120x128xf32, #tpu.memory_space<vmem_shared>>
        tpu.enqueue_indirect_dma source(%arg14 : memref<320x128xf32, #tpu.memory_space<vmem>>) target(%dma_start3A_100 : memref<5120x128xf32, #tpu.memory_space<vmem_shared>>) offsets(%arg12 : memref<320xi32, #tpu.memory_space<vmem>>) semaphore(%arg27 : memref<!tpu.dma_semaphore, #tpu.memory_space<semaphore_mem>>) {add = true}
        %dma_start3A_101 = arith.constant 0 : i32
        %dma_start3A_102 = tpu.memref_slice %arg20[%dma_start3A_101] : memref<5120xf32, #tpu.memory_space<vmem_shared>> -> memref<5120xf32, #tpu.memory_space<vmem_shared>>
        tpu.enqueue_indirect_dma source(%arg16 : memref<320xf32, #tpu.memory_space<vmem>>) target(%dma_start3A_102 : memref<5120xf32, #tpu.memory_space<vmem_shared>>) offsets(%arg12 : memref<320xi32, #tpu.memory_space<vmem>>) semaphore(%arg29 : memref<!tpu.dma_semaphore, #tpu.memory_space<semaphore_mem>>) {add = true}
        %dma_wait3A_103 = arith.constant 0 : i32
        %dma_wait3A_104 = arith.constant 0 : i32
        %dma_wait3A_105 = tpu.memref_slice %arg19[%dma_wait3A_103, %dma_wait3A_104] : memref<5120x128xf32, #tpu.memory_space<vmem_shared>> -> memref<5120x128xf32, #tpu.memory_space<vmem_shared>>
        tpu.wait_indirect_dma semaphore(%arg27 : memref<!tpu.dma_semaphore, #tpu.memory_space<semaphore_mem>>) src(%arg14 : memref<320x128xf32, #tpu.memory_space<vmem>>) dst(%dma_wait3A_105 : memref<5120x128xf32, #tpu.memory_space<vmem_shared>>)
        %dma_wait3A_106 = arith.constant 0 : i32
        %dma_wait3A_107 = tpu.memref_slice %arg20[%dma_wait3A_106] : memref<5120xf32, #tpu.memory_space<vmem_shared>> -> memref<5120xf32, #tpu.memory_space<vmem_shared>>
        tpu.wait_indirect_dma semaphore(%arg29 : memref<!tpu.dma_semaphore, #tpu.memory_space<semaphore_mem>>) src(%arg16 : memref<320xf32, #tpu.memory_space<vmem>>) dst(%dma_wait3A_107 : memref<5120xf32, #tpu.memory_space<vmem_shared>>)
        %add3A_108 = arith.constant 2 : i32
        %add3A_109 = arith.addi %while3A_75, %add3A_108 : i32
        %lt3A_110 = arith.cmpi slt, %add3A_109, %select_n3A : i32
        %convert_element_type3A_111 = arith.extui %lt3A_110 : i1 to i32
        %cond3A_112 = arith.constant 0 : i32
        %cond3A_113 = arith.cmpi ne, %convert_element_type3A_111, %cond3A_112 : i32
        scf.if %cond3A_113 {
          %add3A_114 = arith.constant 2 : i32
          %add3A_115 = arith.addi %while3A_75, %add3A_114 : i32
          %mul3A_116 = arith.constant 32 : i32
          %mul3A_117 = arith.muli %mul3A_116, %add3A_115 : i32
          %add3A_118 = arith.addi %add3A, %mul3A_117 : i32
          %mul3A_119 = arith.constant 320 : i32
          %mul3A_120 = arith.muli %add3A_118, %mul3A_119 : i32
          %dma_start3A_121 = tpu.memref_slice %arg4[%mul3A_120] : memref<320000xi32, #tpu.memory_space<hbm>> -> memref<320xi32, #tpu.memory_space<hbm>>
          %dma_start3A_122 = tpu.memref_slice %arg4[%mul3A_120] : memref<320000xi32, #tpu.memory_space<hbm>> -> memref<320xi32, #tpu.memory_space<hbm>>
          tpu.enqueue_dma source(%dma_start3A_122 : memref<320xi32, #tpu.memory_space<hbm>>) target(%arg10 : memref<320xi32, #tpu.memory_space<vmem>>) target_semaphore(%arg21 : memref<!tpu.dma_semaphore, #tpu.memory_space<semaphore_mem>>)
          %dma_start3A_123 = tpu.memref_slice %arg5[%mul3A_120] : memref<320000xi32, #tpu.memory_space<hbm>> -> memref<320xi32, #tpu.memory_space<hbm>>
          %dma_start3A_124 = tpu.memref_slice %arg5[%mul3A_120] : memref<320000xi32, #tpu.memory_space<hbm>> -> memref<320xi32, #tpu.memory_space<hbm>>
          tpu.enqueue_dma source(%dma_start3A_124 : memref<320xi32, #tpu.memory_space<hbm>>) target(%arg12 : memref<320xi32, #tpu.memory_space<vmem>>) target_semaphore(%arg21 : memref<!tpu.dma_semaphore, #tpu.memory_space<semaphore_mem>>)
        } else {
        }
      } else {
      }
      %rem3A_83 = arith.constant 2 : i32
      %rem3A_84 = arith.remsi %while3A_75, %rem3A_83 : i32
      %eq3A_85 = arith.constant 1 : i32
      %eq3A_86 = arith.cmpi eq, %rem3A_84, %eq3A_85 : i32
      %convert_element_type3A_87 = arith.extui %eq3A_86 : i1 to i32
      %cond3A_88 = arith.constant 0 : i32
      %cond3A_89 = arith.cmpi ne, %convert_element_type3A_87, %cond3A_88 : i32
      scf.if %cond3A_89 {
        %add3A_90 = arith.constant 1 : i32
        %add3A_91 = arith.addi %while3A_75, %add3A_90 : i32
        %lt3A = arith.cmpi slt, %add3A_91, %select_n3A : i32
        %convert_element_type3A_92 = arith.extui %lt3A : i1 to i32
        %cond3A_93 = arith.constant 0 : i32
        %cond3A_94 = arith.cmpi ne, %convert_element_type3A_92, %cond3A_93 : i32
        scf.if %cond3A_94 {
          %dma_wait3A_114 = arith.constant 0 : i32
          %dma_wait3A_115 = tpu.memref_slice %arg4[%dma_wait3A_114] : memref<320000xi32, #tpu.memory_space<hbm>> -> memref<320xi32, #tpu.memory_space<hbm>>
          %dma_wait3A_116 = arith.constant 0 : i32
          %dma_wait3A_117 = tpu.memref_slice %arg4[%dma_wait3A_116] : memref<320000xi32, #tpu.memory_space<hbm>> -> memref<320xi32, #tpu.memory_space<hbm>>
          tpu.wait_dma2 semaphore(%arg21 : memref<!tpu.dma_semaphore, #tpu.memory_space<semaphore_mem>>) src(%dma_wait3A_117 : memref<320xi32, #tpu.memory_space<hbm>>) dst(%arg10 : memref<320xi32, #tpu.memory_space<vmem>>)
          %dma_wait3A_118 = arith.constant 0 : i32
          %dma_wait3A_119 = tpu.memref_slice %arg5[%dma_wait3A_118] : memref<320000xi32, #tpu.memory_space<hbm>> -> memref<320xi32, #tpu.memory_space<hbm>>
          %dma_wait3A_120 = arith.constant 0 : i32
          %dma_wait3A_121 = tpu.memref_slice %arg5[%dma_wait3A_120] : memref<320000xi32, #tpu.memory_space<hbm>> -> memref<320xi32, #tpu.memory_space<hbm>>
          tpu.wait_dma2 semaphore(%arg21 : memref<!tpu.dma_semaphore, #tpu.memory_space<semaphore_mem>>) src(%dma_wait3A_121 : memref<320xi32, #tpu.memory_space<hbm>>) dst(%arg12 : memref<320xi32, #tpu.memory_space<vmem>>)
          %dma_start3A_122 = arith.constant 0 : i32
          %dma_start3A_123 = arith.constant 0 : i32
          %dma_start3A_124 = tpu.memref_slice %arg2[%dma_start3A_122, %dma_start3A_123] : memref<10000x128xf32, #tpu.memory_space<hbm>> -> memref<10000x128xf32, #tpu.memory_space<hbm>>
          tpu.enqueue_indirect_dma source(%dma_start3A_124 : memref<10000x128xf32, #tpu.memory_space<hbm>>) target(%arg14 : memref<320x128xf32, #tpu.memory_space<vmem>>) offsets(%arg10 : memref<320xi32, #tpu.memory_space<vmem>>) semaphore(%arg23 : memref<!tpu.dma_semaphore, #tpu.memory_space<semaphore_mem>>)
        } else {
        }
        %dma_wait3A_95 = arith.constant 0 : i32
        %dma_wait3A_96 = arith.constant 0 : i32
        %dma_wait3A_97 = tpu.memref_slice %arg2[%dma_wait3A_95, %dma_wait3A_96] : memref<10000x128xf32, #tpu.memory_space<hbm>> -> memref<10000x128xf32, #tpu.memory_space<hbm>>
        tpu.wait_indirect_dma semaphore(%arg24 : memref<!tpu.dma_semaphore, #tpu.memory_space<semaphore_mem>>) src(%dma_wait3A_97 : memref<10000x128xf32, #tpu.memory_space<hbm>>) dst(%arg15 : memref<320x128xf32, #tpu.memory_space<vmem>>)
        %dma_start3A_98 = arith.constant 0 : i32
        %dma_start3A_99 = arith.constant 0 : i32
        %dma_start3A_100 = tpu.memref_slice %arg19[%dma_start3A_98, %dma_start3A_99] : memref<5120x128xf32, #tpu.memory_space<vmem_shared>> -> memref<5120x128xf32, #tpu.memory_space<vmem_shared>>
        tpu.enqueue_indirect_dma source(%arg15 : memref<320x128xf32, #tpu.memory_space<vmem>>) target(%dma_start3A_100 : memref<5120x128xf32, #tpu.memory_space<vmem_shared>>) offsets(%arg13 : memref<320xi32, #tpu.memory_space<vmem>>) semaphore(%arg28 : memref<!tpu.dma_semaphore, #tpu.memory_space<semaphore_mem>>) {add = true}
        %dma_start3A_101 = arith.constant 0 : i32
        %dma_start3A_102 = tpu.memref_slice %arg20[%dma_start3A_101] : memref<5120xf32, #tpu.memory_space<vmem_shared>> -> memref<5120xf32, #tpu.memory_space<vmem_shared>>
        tpu.enqueue_indirect_dma source(%arg17 : memref<320xf32, #tpu.memory_space<vmem>>) target(%dma_start3A_102 : memref<5120xf32, #tpu.memory_space<vmem_shared>>) offsets(%arg13 : memref<320xi32, #tpu.memory_space<vmem>>) semaphore(%arg30 : memref<!tpu.dma_semaphore, #tpu.memory_space<semaphore_mem>>) {add = true}
        %dma_wait3A_103 = arith.constant 0 : i32
        %dma_wait3A_104 = arith.constant 0 : i32
        %dma_wait3A_105 = tpu.memref_slice %arg19[%dma_wait3A_103, %dma_wait3A_104] : memref<5120x128xf32, #tpu.memory_space<vmem_shared>> -> memref<5120x128xf32, #tpu.memory_space<vmem_shared>>
        tpu.wait_indirect_dma semaphore(%arg28 : memref<!tpu.dma_semaphore, #tpu.memory_space<semaphore_mem>>) src(%arg15 : memref<320x128xf32, #tpu.memory_space<vmem>>) dst(%dma_wait3A_105 : memref<5120x128xf32, #tpu.memory_space<vmem_shared>>)
        %dma_wait3A_106 = arith.constant 0 : i32
        %dma_wait3A_107 = tpu.memref_slice %arg20[%dma_wait3A_106] : memref<5120xf32, #tpu.memory_space<vmem_shared>> -> memref<5120xf32, #tpu.memory_space<vmem_shared>>
        tpu.wait_indirect_dma semaphore(%arg30 : memref<!tpu.dma_semaphore, #tpu.memory_space<semaphore_mem>>) src(%arg17 : memref<320xf32, #tpu.memory_space<vmem>>) dst(%dma_wait3A_107 : memref<5120xf32, #tpu.memory_space<vmem_shared>>)
        %add3A_108 = arith.constant 2 : i32
        %add3A_109 = arith.addi %while3A_75, %add3A_108 : i32
        %lt3A_110 = arith.cmpi slt, %add3A_109, %select_n3A : i32
        %convert_element_type3A_111 = arith.extui %lt3A_110 : i1 to i32
        %cond3A_112 = arith.constant 0 : i32
        %cond3A_113 = arith.cmpi ne, %convert_element_type3A_111, %cond3A_112 : i32
        scf.if %cond3A_113 {
          %add3A_114 = arith.constant 2 : i32
          %add3A_115 = arith.addi %while3A_75, %add3A_114 : i32
          %mul3A_116 = arith.constant 32 : i32
          %mul3A_117 = arith.muli %mul3A_116, %add3A_115 : i32
          %add3A_118 = arith.addi %add3A, %mul3A_117 : i32
          %mul3A_119 = arith.constant 320 : i32
          %mul3A_120 = arith.muli %add3A_118, %mul3A_119 : i32
          %dma_start3A_121 = tpu.memref_slice %arg4[%mul3A_120] : memref<320000xi32, #tpu.memory_space<hbm>> -> memref<320xi32, #tpu.memory_space<hbm>>
          %dma_start3A_122 = tpu.memref_slice %arg4[%mul3A_120] : memref<320000xi32, #tpu.memory_space<hbm>> -> memref<320xi32, #tpu.memory_space<hbm>>
          tpu.enqueue_dma source(%dma_start3A_122 : memref<320xi32, #tpu.memory_space<hbm>>) target(%arg11 : memref<320xi32, #tpu.memory_space<vmem>>) target_semaphore(%arg22 : memref<!tpu.dma_semaphore, #tpu.memory_space<semaphore_mem>>)
          %dma_start3A_123 = tpu.memref_slice %arg5[%mul3A_120] : memref<320000xi32, #tpu.memory_space<hbm>> -> memref<320xi32, #tpu.memory_space<hbm>>
          %dma_start3A_124 = tpu.memref_slice %arg5[%mul3A_120] : memref<320000xi32, #tpu.memory_space<hbm>> -> memref<320xi32, #tpu.memory_space<hbm>>
          tpu.enqueue_dma source(%dma_start3A_124 : memref<320xi32, #tpu.memory_space<hbm>>) target(%arg13 : memref<320xi32, #tpu.memory_space<vmem>>) target_semaphore(%arg22 : memref<!tpu.dma_semaphore, #tpu.memory_space<semaphore_mem>>)
        } else {
        }
      } else {
      }
    }
    %while3A_68 = arith.constant 1 : i32
    scf.for %while3A_75 = %while3A_66 to %while3A_62 step %while3A_68  : i32 {
      %rem3A_76 = arith.constant 2 : i32
      %rem3A_77 = arith.remsi %while3A_75, %rem3A_76 : i32
      %eq3A_78 = arith.constant 0 : i32
      %eq3A_79 = arith.cmpi eq, %rem3A_77, %eq3A_78 : i32
      %convert_element_type3A_80 = arith.extui %eq3A_79 : i1 to i32
      %cond3A_81 = arith.constant 0 : i32
      %cond3A_82 = arith.cmpi ne, %convert_element_type3A_80, %cond3A_81 : i32
      scf.if %cond3A_82 {
        %add3A_90 = arith.constant 1 : i32
        %add3A_91 = arith.addi %while3A_75, %add3A_90 : i32
        %lt3A = arith.cmpi slt, %add3A_91, %select_n3A : i32
        %convert_element_type3A_92 = arith.extui %lt3A : i1 to i32
        %cond3A_93 = arith.constant 0 : i32
        %cond3A_94 = arith.cmpi ne, %convert_element_type3A_92, %cond3A_93 : i32
        scf.if %cond3A_94 {
          %dma_wait3A_114 = arith.constant 0 : i32
          %dma_wait3A_115 = tpu.memref_slice %arg4[%dma_wait3A_114] : memref<320000xi32, #tpu.memory_space<hbm>> -> memref<320xi32, #tpu.memory_space<hbm>>
          %dma_wait3A_116 = arith.constant 0 : i32
          %dma_wait3A_117 = tpu.memref_slice %arg4[%dma_wait3A_116] : memref<320000xi32, #tpu.memory_space<hbm>> -> memref<320xi32, #tpu.memory_space<hbm>>
          tpu.wait_dma2 semaphore(%arg22 : memref<!tpu.dma_semaphore, #tpu.memory_space<semaphore_mem>>) src(%dma_wait3A_117 : memref<320xi32, #tpu.memory_space<hbm>>) dst(%arg11 : memref<320xi32, #tpu.memory_space<vmem>>)
          %dma_wait3A_118 = arith.constant 0 : i32
          %dma_wait3A_119 = tpu.memref_slice %arg5[%dma_wait3A_118] : memref<320000xi32, #tpu.memory_space<hbm>> -> memref<320xi32, #tpu.memory_space<hbm>>
          %dma_wait3A_120 = arith.constant 0 : i32
          %dma_wait3A_121 = tpu.memref_slice %arg5[%dma_wait3A_120] : memref<320000xi32, #tpu.memory_space<hbm>> -> memref<320xi32, #tpu.memory_space<hbm>>
          tpu.wait_dma2 semaphore(%arg22 : memref<!tpu.dma_semaphore, #tpu.memory_space<semaphore_mem>>) src(%dma_wait3A_121 : memref<320xi32, #tpu.memory_space<hbm>>) dst(%arg13 : memref<320xi32, #tpu.memory_space<vmem>>)
          %dma_start3A_122 = arith.constant 0 : i32
          %dma_start3A_123 = arith.constant 0 : i32
          %dma_start3A_124 = tpu.memref_slice %arg2[%dma_start3A_122, %dma_start3A_123] : memref<10000x128xf32, #tpu.memory_space<hbm>> -> memref<10000x128xf32, #tpu.memory_space<hbm>>
          tpu.enqueue_indirect_dma source(%dma_start3A_124 : memref<10000x128xf32, #tpu.memory_space<hbm>>) target(%arg15 : memref<320x128xf32, #tpu.memory_space<vmem>>) offsets(%arg11 : memref<320xi32, #tpu.memory_space<vmem>>) semaphore(%arg24 : memref<!tpu.dma_semaphore, #tpu.memory_space<semaphore_mem>>)
        } else {
        }
        %dma_wait3A_95 = arith.constant 0 : i32
        %dma_wait3A_96 = arith.constant 0 : i32
        %dma_wait3A_97 = tpu.memref_slice %arg2[%dma_wait3A_95, %dma_wait3A_96] : memref<10000x128xf32, #tpu.memory_space<hbm>> -> memref<10000x128xf32, #tpu.memory_space<hbm>>
        tpu.wait_indirect_dma semaphore(%arg23 : memref<!tpu.dma_semaphore, #tpu.memory_space<semaphore_mem>>) src(%dma_wait3A_97 : memref<10000x128xf32, #tpu.memory_space<hbm>>) dst(%arg14 : memref<320x128xf32, #tpu.memory_space<vmem>>)
        %dma_start3A_98 = arith.constant 0 : i32
        %dma_start3A_99 = arith.constant 0 : i32
        %dma_start3A_100 = tpu.memref_slice %arg19[%dma_start3A_98, %dma_start3A_99] : memref<5120x128xf32, #tpu.memory_space<vmem_shared>> -> memref<5120x128xf32, #tpu.memory_space<vmem_shared>>
        tpu.enqueue_indirect_dma source(%arg14 : memref<320x128xf32, #tpu.memory_space<vmem>>) target(%dma_start3A_100 : memref<5120x128xf32, #tpu.memory_space<vmem_shared>>) offsets(%arg12 : memref<320xi32, #tpu.memory_space<vmem>>) semaphore(%arg27 : memref<!tpu.dma_semaphore, #tpu.memory_space<semaphore_mem>>) {add = true}
        %dma_start3A_101 = arith.constant 0 : i32
        %dma_start3A_102 = tpu.memref_slice %arg20[%dma_start3A_101] : memref<5120xf32, #tpu.memory_space<vmem_shared>> -> memref<5120xf32, #tpu.memory_space<vmem_shared>>
        tpu.enqueue_indirect_dma source(%arg16 : memref<320xf32, #tpu.memory_space<vmem>>) target(%dma_start3A_102 : memref<5120xf32, #tpu.memory_space<vmem_shared>>) offsets(%arg12 : memref<320xi32, #tpu.memory_space<vmem>>) semaphore(%arg29 : memref<!tpu.dma_semaphore, #tpu.memory_space<semaphore_mem>>) {add = true}
        %dma_wait3A_103 = arith.constant 0 : i32
        %dma_wait3A_104 = arith.constant 0 : i32
        %dma_wait3A_105 = tpu.memref_slice %arg19[%dma_wait3A_103, %dma_wait3A_104] : memref<5120x128xf32, #tpu.memory_space<vmem_shared>> -> memref<5120x128xf32, #tpu.memory_space<vmem_shared>>
        tpu.wait_indirect_dma semaphore(%arg27 : memref<!tpu.dma_semaphore, #tpu.memory_space<semaphore_mem>>) src(%arg14 : memref<320x128xf32, #tpu.memory_space<vmem>>) dst(%dma_wait3A_105 : memref<5120x128xf32, #tpu.memory_space<vmem_shared>>)
        %dma_wait3A_106 = arith.constant 0 : i32
        %dma_wait3A_107 = tpu.memref_slice %arg20[%dma_wait3A_106] : memref<5120xf32, #tpu.memory_space<vmem_shared>> -> memref<5120xf32, #tpu.memory_space<vmem_shared>>
        tpu.wait_indirect_dma semaphore(%arg29 : memref<!tpu.dma_semaphore, #tpu.memory_space<semaphore_mem>>) src(%arg16 : memref<320xf32, #tpu.memory_space<vmem>>) dst(%dma_wait3A_107 : memref<5120xf32, #tpu.memory_space<vmem_shared>>)
        %add3A_108 = arith.constant 2 : i32
        %add3A_109 = arith.addi %while3A_75, %add3A_108 : i32
        %lt3A_110 = arith.cmpi slt, %add3A_109, %select_n3A : i32
        %convert_element_type3A_111 = arith.extui %lt3A_110 : i1 to i32
        %cond3A_112 = arith.constant 0 : i32
        %cond3A_113 = arith.cmpi ne, %convert_element_type3A_111, %cond3A_112 : i32
        scf.if %cond3A_113 {
          %add3A_114 = arith.constant 2 : i32
          %add3A_115 = arith.addi %while3A_75, %add3A_114 : i32
          %mul3A_116 = arith.constant 32 : i32
          %mul3A_117 = arith.muli %mul3A_116, %add3A_115 : i32
          %add3A_118 = arith.addi %add3A, %mul3A_117 : i32
          %mul3A_119 = arith.constant 320 : i32
          %mul3A_120 = arith.muli %add3A_118, %mul3A_119 : i32
          %dma_start3A_121 = tpu.memref_slice %arg4[%mul3A_120] : memref<320000xi32, #tpu.memory_space<hbm>> -> memref<320xi32, #tpu.memory_space<hbm>>
          %dma_start3A_122 = tpu.memref_slice %arg4[%mul3A_120] : memref<320000xi32, #tpu.memory_space<hbm>> -> memref<320xi32, #tpu.memory_space<hbm>>
          tpu.enqueue_dma source(%dma_start3A_122 : memref<320xi32, #tpu.memory_space<hbm>>) target(%arg10 : memref<320xi32, #tpu.memory_space<vmem>>) target_semaphore(%arg21 : memref<!tpu.dma_semaphore, #tpu.memory_space<semaphore_mem>>)
          %dma_start3A_123 = tpu.memref_slice %arg5[%mul3A_120] : memref<320000xi32, #tpu.memory_space<hbm>> -> memref<320xi32, #tpu.memory_space<hbm>>
          %dma_start3A_124 = tpu.memref_slice %arg5[%mul3A_120] : memref<320000xi32, #tpu.memory_space<hbm>> -> memref<320xi32, #tpu.memory_space<hbm>>
          tpu.enqueue_dma source(%dma_start3A_124 : memref<320xi32, #tpu.memory_space<hbm>>) target(%arg12 : memref<320xi32, #tpu.memory_space<vmem>>) target_semaphore(%arg21 : memref<!tpu.dma_semaphore, #tpu.memory_space<semaphore_mem>>)
        } else {
        }
      } else {
      }
      %rem3A_83 = arith.constant 2 : i32
      %rem3A_84 = arith.remsi %while3A_75, %rem3A_83 : i32
      %eq3A_85 = arith.constant 1 : i32
      %eq3A_86 = arith.cmpi eq, %rem3A_84, %eq3A_85 : i32
      %convert_element_type3A_87 = arith.extui %eq3A_86 : i1 to i32
      %cond3A_88 = arith.constant 0 : i32
      %cond3A_89 = arith.cmpi ne, %convert_element_type3A_87, %cond3A_88 : i32
      scf.if %cond3A_89 {
        %add3A_90 = arith.constant 1 : i32
        %add3A_91 = arith.addi %while3A_75, %add3A_90 : i32
        %lt3A = arith.cmpi slt, %add3A_91, %select_n3A : i32
        %convert_element_type3A_92 = arith.extui %lt3A : i1 to i32
        %cond3A_93 = arith.constant 0 : i32
        %cond3A_94 = arith.cmpi ne, %convert_element_type3A_92, %cond3A_93 : i32
        scf.if %cond3A_94 {
          %dma_wait3A_114 = arith.constant 0 : i32
          %dma_wait3A_115 = tpu.memref_slice %arg4[%dma_wait3A_114] : memref<320000xi32, #tpu.memory_space<hbm>> -> memref<320xi32, #tpu.memory_space<hbm>>
          %dma_wait3A_116 = arith.constant 0 : i32
          %dma_wait3A_117 = tpu.memref_slice %arg4[%dma_wait3A_116] : memref<320000xi32, #tpu.memory_space<hbm>> -> memref<320xi32, #tpu.memory_space<hbm>>
          tpu.wait_dma2 semaphore(%arg21 : memref<!tpu.dma_semaphore, #tpu.memory_space<semaphore_mem>>) src(%dma_wait3A_117 : memref<320xi32, #tpu.memory_space<hbm>>) dst(%arg10 : memref<320xi32, #tpu.memory_space<vmem>>)
          %dma_wait3A_118 = arith.constant 0 : i32
          %dma_wait3A_119 = tpu.memref_slice %arg5[%dma_wait3A_118] : memref<320000xi32, #tpu.memory_space<hbm>> -> memref<320xi32, #tpu.memory_space<hbm>>
          %dma_wait3A_120 = arith.constant 0 : i32
          %dma_wait3A_121 = tpu.memref_slice %arg5[%dma_wait3A_120] : memref<320000xi32, #tpu.memory_space<hbm>> -> memref<320xi32, #tpu.memory_space<hbm>>
          tpu.wait_dma2 semaphore(%arg21 : memref<!tpu.dma_semaphore, #tpu.memory_space<semaphore_mem>>) src(%dma_wait3A_121 : memref<320xi32, #tpu.memory_space<hbm>>) dst(%arg12 : memref<320xi32, #tpu.memory_space<vmem>>)
          %dma_start3A_122 = arith.constant 0 : i32
          %dma_start3A_123 = arith.constant 0 : i32
          %dma_start3A_124 = tpu.memref_slice %arg2[%dma_start3A_122, %dma_start3A_123] : memref<10000x128xf32, #tpu.memory_space<hbm>> -> memref<10000x128xf32, #tpu.memory_space<hbm>>
          tpu.enqueue_indirect_dma source(%dma_start3A_124 : memref<10000x128xf32, #tpu.memory_space<hbm>>) target(%arg14 : memref<320x128xf32, #tpu.memory_space<vmem>>) offsets(%arg10 : memref<320xi32, #tpu.memory_space<vmem>>) semaphore(%arg23 : memref<!tpu.dma_semaphore, #tpu.memory_space<semaphore_mem>>)
        } else {
        }
        %dma_wait3A_95 = arith.constant 0 : i32
        %dma_wait3A_96 = arith.constant 0 : i32
        %dma_wait3A_97 = tpu.memref_slice %arg2[%dma_wait3A_95, %dma_wait3A_96] : memref<10000x128xf32, #tpu.memory_space<hbm>> -> memref<10000x128xf32, #tpu.memory_space<hbm>>
        tpu.wait_indirect_dma semaphore(%arg24 : memref<!tpu.dma_semaphore, #tpu.memory_space<semaphore_mem>>) src(%dma_wait3A_97 : memref<10000x128xf32, #tpu.memory_space<hbm>>) dst(%arg15 : memref<320x128xf32, #tpu.memory_space<vmem>>)
        %dma_start3A_98 = arith.constant 0 : i32
        %dma_start3A_99 = arith.constant 0 : i32
        %dma_start3A_100 = tpu.memref_slice %arg19[%dma_start3A_98, %dma_start3A_99] : memref<5120x128xf32, #tpu.memory_space<vmem_shared>> -> memref<5120x128xf32, #tpu.memory_space<vmem_shared>>
        tpu.enqueue_indirect_dma source(%arg15 : memref<320x128xf32, #tpu.memory_space<vmem>>) target(%dma_start3A_100 : memref<5120x128xf32, #tpu.memory_space<vmem_shared>>) offsets(%arg13 : memref<320xi32, #tpu.memory_space<vmem>>) semaphore(%arg28 : memref<!tpu.dma_semaphore, #tpu.memory_space<semaphore_mem>>) {add = true}
        %dma_start3A_101 = arith.constant 0 : i32
        %dma_start3A_102 = tpu.memref_slice %arg20[%dma_start3A_101] : memref<5120xf32, #tpu.memory_space<vmem_shared>> -> memref<5120xf32, #tpu.memory_space<vmem_shared>>
        tpu.enqueue_indirect_dma source(%arg17 : memref<320xf32, #tpu.memory_space<vmem>>) target(%dma_start3A_102 : memref<5120xf32, #tpu.memory_space<vmem_shared>>) offsets(%arg13 : memref<320xi32, #tpu.memory_space<vmem>>) semaphore(%arg30 : memref<!tpu.dma_semaphore, #tpu.memory_space<semaphore_mem>>) {add = true}
        %dma_wait3A_103 = arith.constant 0 : i32
        %dma_wait3A_104 = arith.constant 0 : i32
        %dma_wait3A_105 = tpu.memref_slice %arg19[%dma_wait3A_103, %dma_wait3A_104] : memref<5120x128xf32, #tpu.memory_space<vmem_shared>> -> memref<5120x128xf32, #tpu.memory_space<vmem_shared>>
        tpu.wait_indirect_dma semaphore(%arg28 : memref<!tpu.dma_semaphore, #tpu.memory_space<semaphore_mem>>) src(%arg15 : memref<320x128xf32, #tpu.memory_space<vmem>>) dst(%dma_wait3A_105 : memref<5120x128xf32, #tpu.memory_space<vmem_shared>>)
        %dma_wait3A_106 = arith.constant 0 : i32
        %dma_wait3A_107 = tpu.memref_slice %arg20[%dma_wait3A_106] : memref<5120xf32, #tpu.memory_space<vmem_shared>> -> memref<5120xf32, #tpu.memory_space<vmem_shared>>
        tpu.wait_indirect_dma semaphore(%arg30 : memref<!tpu.dma_semaphore, #tpu.memory_space<semaphore_mem>>) src(%arg17 : memref<320xf32, #tpu.memory_space<vmem>>) dst(%dma_wait3A_107 : memref<5120xf32, #tpu.memory_space<vmem_shared>>)
        %add3A_108 = arith.constant 2 : i32
        %add3A_109 = arith.addi %while3A_75, %add3A_108 : i32
        %lt3A_110 = arith.cmpi slt, %add3A_109, %select_n3A : i32
        %convert_element_type3A_111 = arith.extui %lt3A_110 : i1 to i32
        %cond3A_112 = arith.constant 0 : i32
        %cond3A_113 = arith.cmpi ne, %convert_element_type3A_111, %cond3A_112 : i32
        scf.if %cond3A_113 {
          %add3A_114 = arith.constant 2 : i32
          %add3A_115 = arith.addi %while3A_75, %add3A_114 : i32
          %mul3A_116 = arith.constant 32 : i32
          %mul3A_117 = arith.muli %mul3A_116, %add3A_115 : i32
          %add3A_118 = arith.addi %add3A, %mul3A_117 : i32
          %mul3A_119 = arith.constant 320 : i32
          %mul3A_120 = arith.muli %add3A_118, %mul3A_119 : i32
          %dma_start3A_121 = tpu.memref_slice %arg4[%mul3A_120] : memref<320000xi32, #tpu.memory_space<hbm>> -> memref<320xi32, #tpu.memory_space<hbm>>
          %dma_start3A_122 = tpu.memref_slice %arg4[%mul3A_120] : memref<320000xi32, #tpu.memory_space<hbm>> -> memref<320xi32, #tpu.memory_space<hbm>>
          tpu.enqueue_dma source(%dma_start3A_122 : memref<320xi32, #tpu.memory_space<hbm>>) target(%arg11 : memref<320xi32, #tpu.memory_space<vmem>>) target_semaphore(%arg22 : memref<!tpu.dma_semaphore, #tpu.memory_space<semaphore_mem>>)
          %dma_start3A_123 = tpu.memref_slice %arg5[%mul3A_120] : memref<320000xi32, #tpu.memory_space<hbm>> -> memref<320xi32, #tpu.memory_space<hbm>>
          %dma_start3A_124 = tpu.memref_slice %arg5[%mul3A_120] : memref<320000xi32, #tpu.memory_space<hbm>> -> memref<320xi32, #tpu.memory_space<hbm>>
          tpu.enqueue_dma source(%dma_start3A_124 : memref<320xi32, #tpu.memory_space<hbm>>) target(%arg13 : memref<320xi32, #tpu.memory_space<vmem>>) target_semaphore(%arg22 : memref<!tpu.dma_semaphore, #tpu.memory_space<semaphore_mem>>)
        } else {
        }
      } else {
      }
    }
    %barrier3A_69 = arith.constant 0 : index
    tpu.barrier barrier_id(%barrier3A_69)
    "tpu.region"() ({
      %run_scoped3A = tpu.sem_alloc : memref<!tpu.dma_semaphore, #tpu.memory_space<semaphore_mem>>
      %dma_start3A_75 = arith.constant 0 : i32
      %dma_start3A_76 = tpu.memref_slice %arg8[%arg0, %mul3A_0, %dma_start3A_75] : memref<2x5120x128xf32, #tpu.memory_space<hbm>> -> memref<1x320x128xf32, #tpu.memory_space<hbm>>
      %dma_start3A_77 = tpu.memref_squeeze %dma_start3A_76 : memref<1x320x128xf32, #tpu.memory_space<hbm>> -> memref<320x128xf32, #tpu.memory_space<hbm>>
      %dma_start3A_78 = arith.constant 0 : i32
      %dma_start3A_79 = tpu.memref_slice %arg19[%mul3A_0, %dma_start3A_78] : memref<5120x128xf32, #tpu.memory_space<vmem_shared>> -> memref<320x128xf32, #tpu.memory_space<vmem_shared>>
      tpu.enqueue_dma source(%dma_start3A_79 : memref<320x128xf32, #tpu.memory_space<vmem_shared>>) target(%dma_start3A_77 : memref<320x128xf32, #tpu.memory_space<hbm>>) target_semaphore(%run_scoped3A : memref<!tpu.dma_semaphore, #tpu.memory_space<semaphore_mem>>)
      %dma_wait3A_80 = arith.constant 0 : i32
      %dma_wait3A_81 = tpu.memref_slice %arg8[%arg0, %mul3A_0, %dma_wait3A_80] : memref<2x5120x128xf32, #tpu.memory_space<hbm>> -> memref<1x320x128xf32, #tpu.memory_space<hbm>>
      %dma_wait3A_82 = tpu.memref_squeeze %dma_wait3A_81 : memref<1x320x128xf32, #tpu.memory_space<hbm>> -> memref<320x128xf32, #tpu.memory_space<hbm>>
      %dma_wait3A_83 = arith.constant 0 : i32
      %dma_wait3A_84 = tpu.memref_slice %arg19[%mul3A_0, %dma_wait3A_83] : memref<5120x128xf32, #tpu.memory_space<vmem_shared>> -> memref<320x128xf32, #tpu.memory_space<vmem_shared>>
      tpu.wait_dma2 semaphore(%run_scoped3A : memref<!tpu.dma_semaphore, #tpu.memory_space<semaphore_mem>>) src(%dma_wait3A_84 : memref<320x128xf32, #tpu.memory_space<vmem_shared>>) dst(%dma_wait3A_82 : memref<320x128xf32, #tpu.memory_space<hbm>>)
      tpu.yield
    }) : () -> ()
    %eq3A_70 = arith.constant 0 : i32
    %eq3A_71 = arith.cmpi eq, %arg1, %eq3A_70 : i32
    %convert_element_type3A_72 = arith.extui %eq3A_71 : i1 to i32
    %cond3A_73 = arith.constant 0 : i32
    %cond3A_74 = arith.cmpi ne, %convert_element_type3A_72, %cond3A_73 : i32
    scf.if %cond3A_74 {
      %run_scoped3A = arith.constant 0 : i32
      "tpu.region"() ({
        %run_scoped3A_75 = tpu.sem_alloc : memref<!tpu.dma_semaphore, #tpu.memory_space<semaphore_mem>>
        %dma_start3A_76 = arith.constant 0 : i32
        %dma_start3A_77 = tpu.memref_slice %arg9[%arg0, %run_scoped3A, %dma_start3A_76] : memref<2x8x5120xf32, #tpu.memory_space<hbm>> -> memref<1x1x5120xf32, #tpu.memory_space<hbm>>
        %dma_start3A_78 = tpu.memref_squeeze %dma_start3A_77 : memref<1x1x5120xf32, #tpu.memory_space<hbm>> -> memref<5120xf32, #tpu.memory_space<hbm>>
        tpu.enqueue_dma source(%arg20 : memref<5120xf32, #tpu.memory_space<vmem_shared>>) target(%dma_start3A_78 : memref<5120xf32, #tpu.memory_space<hbm>>) target_semaphore(%run_scoped3A_75 : memref<!tpu.dma_semaphore, #tpu.memory_space<semaphore_mem>>)
        %dma_wait3A_79 = arith.constant 0 : i32
        %dma_wait3A_80 = tpu.memref_slice %arg9[%arg0, %run_scoped3A, %dma_wait3A_79] : memref<2x8x5120xf32, #tpu.memory_space<hbm>> -> memref<1x1x5120xf32, #tpu.memory_space<hbm>>
        %dma_wait3A_81 = tpu.memref_squeeze %dma_wait3A_80 : memref<1x1x5120xf32, #tpu.memory_space<hbm>> -> memref<5120xf32, #tpu.memory_space<hbm>>
        tpu.wait_dma2 semaphore(%run_scoped3A_75 : memref<!tpu.dma_semaphore, #tpu.memory_space<semaphore_mem>>) src(%arg20 : memref<5120xf32, #tpu.memory_space<vmem_shared>>) dst(%dma_wait3A_81 : memref<5120xf32, #tpu.memory_space<hbm>>)
        tpu.yield
      }) : () -> ()
    } else {
    }
    return
  }
}

#map = affine_map<(d0, d1) -> (0, 0)>
#map1 = affine_map<(d0, d1) -> (0)>
#map2 = affine_map<(d0, d1) -> (0, 0, 0)>
module attributes {stable_mosaic.version = 14 : i64} {
  func.func @k(%arg0: i32, %arg1: i32, %arg2: memref<5120x128xf32, #tpu.memory_space<hbm>>, %arg3: memref<5120xf32, #tpu.memory_space<hbm>>, %arg4: memref<320000xi32, #tpu.memory_space<hbm>>, %arg5: memref<320000xi32, #tpu.memory_space<hbm>>, %arg6: memref<10112x128xf32, #tpu.memory_space<hbm>>, %arg7: memref<10112xf32, #tpu.memory_space<hbm>>, %arg8: memref<2x10112x128xf32, #tpu.memory_space<hbm>>, %arg9: memref<2x8x10112xf32, #tpu.memory_space<hbm>>, %arg10: memref<160xi32, #tpu.memory_space<vmem>>, %arg11: memref<160xi32, #tpu.memory_space<vmem>>, %arg12: memref<160xi32, #tpu.memory_space<vmem>>, %arg13: memref<160xi32, #tpu.memory_space<vmem>>, %arg14: memref<160x128xf32, #tpu.memory_space<vmem>>, %arg15: memref<160x128xf32, #tpu.memory_space<vmem>>, %arg16: memref<160xf32, #tpu.memory_space<vmem>>, %arg17: memref<160xf32, #tpu.memory_space<vmem>>, %arg18: memref<5120xf32, #tpu.memory_space<vmem_shared>>, %arg19: memref<10112x128xf32, #tpu.memory_space<vmem_shared>>, %arg20: memref<10112xf32, #tpu.memory_space<vmem_shared>>, %arg21: memref<!tpu.dma_semaphore, #tpu.memory_space<semaphore_mem>>, %arg22: memref<!tpu.dma_semaphore, #tpu.memory_space<semaphore_mem>>, %arg23: memref<!tpu.dma_semaphore, #tpu.memory_space<semaphore_mem>>, %arg24: memref<!tpu.dma_semaphore, #tpu.memory_space<semaphore_mem>>, %arg25: memref<!tpu.dma_semaphore, #tpu.memory_space<semaphore_mem>>, %arg26: memref<!tpu.dma_semaphore, #tpu.memory_space<semaphore_mem>>, %arg27: memref<!tpu.dma_semaphore, #tpu.memory_space<semaphore_mem>>, %arg28: memref<!tpu.dma_semaphore, #tpu.memory_space<semaphore_mem>>, %arg29: memref<!tpu.dma_semaphore, #tpu.memory_space<semaphore_mem>>, %arg30: memref<!tpu.dma_semaphore, #tpu.memory_space<semaphore_mem>>, %arg31: memref<!tpu.dma_semaphore, #tpu.memory_space<semaphore_mem>>) attributes {dimension_semantics = [#tpu.dimension_semantics<core_parallel>, #tpu.dimension_semantics<subcore_parallel>], iteration_bounds = array<i64: 2, 16>, scalar_prefetch = 0 : i64, scratch_operands = 22 : i64, tpu.core_type = #tpu.core_type<sc_vector_subcore>, window_params = [{transform_indices = #map}, {transform_indices = #map1}, {transform_indices = #map1}, {transform_indices = #map1}, {transform_indices = #map}, {transform_indices = #map1}, {transform_indices = #map2}, {transform_indices = #map2}]} {
    %mul3A = arith.constant 632 : i32
    %mul3A_0 = arith.muli %arg1, %mul3A : i32
    %dma_start3A = arith.constant 0 : i32
    %dma_start3A_1 = tpu.memref_slice %arg19[%mul3A_0, %dma_start3A] : memref<10112x128xf32, #tpu.memory_space<vmem_shared>> -> memref<632x128xf32, #tpu.memory_space<vmem_shared>>
    %dma_start3A_2 = arith.constant 0 : i32
    %dma_start3A_3 = tpu.memref_slice %arg6[%mul3A_0, %dma_start3A_2] : memref<10112x128xf32, #tpu.memory_space<hbm>> -> memref<632x128xf32, #tpu.memory_space<hbm>>
    tpu.enqueue_dma source(%dma_start3A_3 : memref<632x128xf32, #tpu.memory_space<hbm>>) target(%dma_start3A_1 : memref<632x128xf32, #tpu.memory_space<vmem_shared>>) target_semaphore(%arg31 : memref<!tpu.dma_semaphore, #tpu.memory_space<semaphore_mem>>)
    %eq3A = arith.constant 0 : i32
    %eq3A_4 = arith.cmpi eq, %arg1, %eq3A : i32
    %convert_element_type3A = arith.extui %eq3A_4 : i1 to i32
    %cond3A = arith.constant 0 : i32
    %cond3A_5 = arith.cmpi ne, %convert_element_type3A, %cond3A : i32
    scf.if %cond3A_5 {
      "tpu.region"() ({
        %run_scoped3A = tpu.sem_alloc : memref<!tpu.dma_semaphore, #tpu.memory_space<semaphore_mem>>
        %dma_start3A_82 = arith.constant 0 : i32
        %dma_start3A_83 = tpu.memref_slice %arg7[%dma_start3A_82] : memref<10112xf32, #tpu.memory_space<hbm>> -> memref<10112xf32, #tpu.memory_space<hbm>>
        tpu.enqueue_dma source(%dma_start3A_83 : memref<10112xf32, #tpu.memory_space<hbm>>) target(%arg20 : memref<10112xf32, #tpu.memory_space<vmem_shared>>) target_semaphore(%run_scoped3A : memref<!tpu.dma_semaphore, #tpu.memory_space<semaphore_mem>>)
        %dma_wait3A_84 = arith.constant 0 : i32
        %dma_wait3A_85 = tpu.memref_slice %arg7[%dma_wait3A_84] : memref<10112xf32, #tpu.memory_space<hbm>> -> memref<10112xf32, #tpu.memory_space<hbm>>
        tpu.wait_dma2 semaphore(%run_scoped3A : memref<!tpu.dma_semaphore, #tpu.memory_space<semaphore_mem>>) src(%dma_wait3A_85 : memref<10112xf32, #tpu.memory_space<hbm>>) dst(%arg20 : memref<10112xf32, #tpu.memory_space<vmem_shared>>)
        tpu.yield
      }) : () -> ()
    } else {
    }
    %eq3A_6 = arith.constant 0 : i32
    %eq3A_7 = arith.cmpi eq, %arg1, %eq3A_6 : i32
    %convert_element_type3A_8 = arith.extui %eq3A_7 : i1 to i32
    %cond3A_9 = arith.constant 0 : i32
    %cond3A_10 = arith.cmpi ne, %convert_element_type3A_8, %cond3A_9 : i32
    scf.if %cond3A_10 {
      "tpu.region"() ({
        %run_scoped3A = tpu.sem_alloc : memref<!tpu.dma_semaphore, #tpu.memory_space<semaphore_mem>>
        tpu.enqueue_dma source(%arg3 : memref<5120xf32, #tpu.memory_space<hbm>>) target(%arg18 : memref<5120xf32, #tpu.memory_space<vmem_shared>>) target_semaphore(%run_scoped3A : memref<!tpu.dma_semaphore, #tpu.memory_space<semaphore_mem>>)
        tpu.wait_dma2 semaphore(%run_scoped3A : memref<!tpu.dma_semaphore, #tpu.memory_space<semaphore_mem>>) src(%arg3 : memref<5120xf32, #tpu.memory_space<hbm>>) dst(%arg18 : memref<5120xf32, #tpu.memory_space<vmem_shared>>)
        tpu.yield
      }) : () -> ()
    } else {
    }
    %mul3A_11 = arith.constant 16 : i32
    %mul3A_12 = arith.muli %arg0, %mul3A_11 : i32
    %add3A = arith.addi %mul3A_12, %arg1 : i32
    %sub3A = arith.constant 2000 : i32
    %sub3A_13 = arith.subi %sub3A, %add3A : i32
    %add3A_14 = arith.constant 32 : i32
    %add3A_15 = arith.addi %sub3A_13, %add3A_14 : i32
    %sub3A_16 = arith.constant 1 : i32
    %sub3A_17 = arith.subi %add3A_15, %sub3A_16 : i32
    %jit3A = arith.constant 32 : i32
    %div3A = arith.divsi %sub3A_17, %jit3A : i32
    %sign3A = arith.constant 0 : i32
    %sign3A_18 = arith.cmpi sgt, %sub3A_17, %sign3A : i32
    %sign3A_19 = arith.extui %sign3A_18 : i1 to i32
    %sign3A_20 = arith.constant 0 : i32
    %sign3A_21 = arith.cmpi slt, %sub3A_17, %sign3A_20 : i32
    %sign3A_22 = arith.extui %sign3A_21 : i1 to i32
    %sign3A_23 = arith.subi %sign3A_19, %sign3A_22 : i32
    %sign3A_24 = arith.constant 0 : i32
    %sign3A_25 = arith.cmpi sgt, %jit3A, %sign3A_24 : i32
    %sign3A_26 = arith.extui %sign3A_25 : i1 to i32
    %sign3A_27 = arith.constant 0 : i32
    %sign3A_28 = arith.cmpi slt, %jit3A, %sign3A_27 : i32
    %sign3A_29 = arith.extui %sign3A_28 : i1 to i32
    %sign3A_30 = arith.subi %sign3A_26, %sign3A_29 : i32
    %ne3A = arith.cmpi ne, %sign3A_23, %sign3A_30 : i32
    %rem3A = arith.remsi %sub3A_17, %jit3A : i32
    %ne3A_31 = arith.constant 0 : i32
    %ne3A_32 = arith.cmpi ne, %rem3A, %ne3A_31 : i32
    %and3A = arith.andi %ne3A, %ne3A_32 : i1
    %sub3A_33 = arith.constant 1 : i32
    %sub3A_34 = arith.subi %div3A, %sub3A_33 : i32
    %select_n3A = arith.select %and3A, %sub3A_34, %div3A : i32
    %add3A_35 = arith.constant 0 : i32
    %add3A_36 = arith.addi %add3A, %add3A_35 : i32
    %mul3A_37 = arith.constant 160 : i32
    %mul3A_38 = arith.muli %add3A_36, %mul3A_37 : i32
    %dma_start3A_39 = tpu.memref_slice %arg4[%mul3A_38] : memref<320000xi32, #tpu.memory_space<hbm>> -> memref<160xi32, #tpu.memory_space<hbm>>
    %dma_start3A_40 = tpu.memref_slice %arg4[%mul3A_38] : memref<320000xi32, #tpu.memory_space<hbm>> -> memref<160xi32, #tpu.memory_space<hbm>>
    tpu.enqueue_dma source(%dma_start3A_40 : memref<160xi32, #tpu.memory_space<hbm>>) target(%arg10 : memref<160xi32, #tpu.memory_space<vmem>>) target_semaphore(%arg21 : memref<!tpu.dma_semaphore, #tpu.memory_space<semaphore_mem>>)
    %dma_start3A_41 = tpu.memref_slice %arg5[%mul3A_38] : memref<320000xi32, #tpu.memory_space<hbm>> -> memref<160xi32, #tpu.memory_space<hbm>>
    %dma_start3A_42 = tpu.memref_slice %arg5[%mul3A_38] : memref<320000xi32, #tpu.memory_space<hbm>> -> memref<160xi32, #tpu.memory_space<hbm>>
    tpu.enqueue_dma source(%dma_start3A_42 : memref<160xi32, #tpu.memory_space<hbm>>) target(%arg12 : memref<160xi32, #tpu.memory_space<vmem>>) target_semaphore(%arg21 : memref<!tpu.dma_semaphore, #tpu.memory_space<semaphore_mem>>)
    %add3A_43 = arith.constant 32 : i32
    %add3A_44 = arith.addi %add3A, %add3A_43 : i32
    %mul3A_45 = arith.constant 160 : i32
    %mul3A_46 = arith.muli %add3A_44, %mul3A_45 : i32
    %dma_start3A_47 = tpu.memref_slice %arg4[%mul3A_46] : memref<320000xi32, #tpu.memory_space<hbm>> -> memref<160xi32, #tpu.memory_space<hbm>>
    %dma_start3A_48 = tpu.memref_slice %arg4[%mul3A_46] : memref<320000xi32, #tpu.memory_space<hbm>> -> memref<160xi32, #tpu.memory_space<hbm>>
    tpu.enqueue_dma source(%dma_start3A_48 : memref<160xi32, #tpu.memory_space<hbm>>) target(%arg11 : memref<160xi32, #tpu.memory_space<vmem>>) target_semaphore(%arg22 : memref<!tpu.dma_semaphore, #tpu.memory_space<semaphore_mem>>)
    %dma_start3A_49 = tpu.memref_slice %arg5[%mul3A_46] : memref<320000xi32, #tpu.memory_space<hbm>> -> memref<160xi32, #tpu.memory_space<hbm>>
    %dma_start3A_50 = tpu.memref_slice %arg5[%mul3A_46] : memref<320000xi32, #tpu.memory_space<hbm>> -> memref<160xi32, #tpu.memory_space<hbm>>
    tpu.enqueue_dma source(%dma_start3A_50 : memref<160xi32, #tpu.memory_space<hbm>>) target(%arg13 : memref<160xi32, #tpu.memory_space<vmem>>) target_semaphore(%arg22 : memref<!tpu.dma_semaphore, #tpu.memory_space<semaphore_mem>>)
    %dma_wait3A = arith.constant 0 : i32
    %dma_wait3A_51 = tpu.memref_slice %arg4[%dma_wait3A] : memref<320000xi32, #tpu.memory_space<hbm>> -> memref<160xi32, #tpu.memory_space<hbm>>
    %dma_wait3A_52 = arith.constant 0 : i32
    %dma_wait3A_53 = tpu.memref_slice %arg4[%dma_wait3A_52] : memref<320000xi32, #tpu.memory_space<hbm>> -> memref<160xi32, #tpu.memory_space<hbm>>
    tpu.wait_dma2 semaphore(%arg21 : memref<!tpu.dma_semaphore, #tpu.memory_space<semaphore_mem>>) src(%dma_wait3A_53 : memref<160xi32, #tpu.memory_space<hbm>>) dst(%arg10 : memref<160xi32, #tpu.memory_space<vmem>>)
    %dma_wait3A_54 = arith.constant 0 : i32
    %dma_wait3A_55 = tpu.memref_slice %arg5[%dma_wait3A_54] : memref<320000xi32, #tpu.memory_space<hbm>> -> memref<160xi32, #tpu.memory_space<hbm>>
    %dma_wait3A_56 = arith.constant 0 : i32
    %dma_wait3A_57 = tpu.memref_slice %arg5[%dma_wait3A_56] : memref<320000xi32, #tpu.memory_space<hbm>> -> memref<160xi32, #tpu.memory_space<hbm>>
    tpu.wait_dma2 semaphore(%arg21 : memref<!tpu.dma_semaphore, #tpu.memory_space<semaphore_mem>>) src(%dma_wait3A_57 : memref<160xi32, #tpu.memory_space<hbm>>) dst(%arg12 : memref<160xi32, #tpu.memory_space<vmem>>)
    %dma_start3A_58 = arith.constant 0 : i32
    %dma_start3A_59 = arith.constant 0 : i32
    %dma_start3A_60 = tpu.memref_slice %arg2[%dma_start3A_58, %dma_start3A_59] : memref<5120x128xf32, #tpu.memory_space<hbm>> -> memref<5120x128xf32, #tpu.memory_space<hbm>>
    tpu.enqueue_indirect_dma source(%dma_start3A_60 : memref<5120x128xf32, #tpu.memory_space<hbm>>) target(%arg14 : memref<160x128xf32, #tpu.memory_space<vmem>>) offsets(%arg10 : memref<160xi32, #tpu.memory_space<vmem>>) semaphore(%arg23 : memref<!tpu.dma_semaphore, #tpu.memory_space<semaphore_mem>>)
    %dma_wait3A_61 = arith.constant 0 : i32
    %dma_wait3A_62 = tpu.memref_slice %arg19[%mul3A_0, %dma_wait3A_61] : memref<10112x128xf32, #tpu.memory_space<vmem_shared>> -> memref<632x128xf32, #tpu.memory_space<vmem_shared>>
    %dma_wait3A_63 = arith.constant 0 : i32
    %dma_wait3A_64 = tpu.memref_slice %arg6[%mul3A_0, %dma_wait3A_63] : memref<10112x128xf32, #tpu.memory_space<hbm>> -> memref<632x128xf32, #tpu.memory_space<hbm>>
    tpu.wait_dma2 semaphore(%arg31 : memref<!tpu.dma_semaphore, #tpu.memory_space<semaphore_mem>>) src(%dma_wait3A_64 : memref<632x128xf32, #tpu.memory_space<hbm>>) dst(%dma_wait3A_62 : memref<632x128xf32, #tpu.memory_space<vmem_shared>>)
    %barrier3A = arith.constant 0 : index
    tpu.barrier barrier_id(%barrier3A)
    %dma_start3A_65 = arith.constant 0 : i32
    %dma_start3A_66 = tpu.memref_slice %arg18[%dma_start3A_65] : memref<5120xf32, #tpu.memory_space<vmem_shared>> -> memref<5120xf32, #tpu.memory_space<vmem_shared>>
    tpu.enqueue_indirect_dma source(%dma_start3A_66 : memref<5120xf32, #tpu.memory_space<vmem_shared>>) target(%arg16 : memref<160xf32, #tpu.memory_space<vmem>>) offsets(%arg10 : memref<160xi32, #tpu.memory_space<vmem>>) semaphore(%arg25 : memref<!tpu.dma_semaphore, #tpu.memory_space<semaphore_mem>>)
    %while3A = arith.constant 0 : i32
    %while3A_67 = arith.constant 0 : i32
    %while3A_68 = arith.subi %select_n3A, %while3A_67 : i32
    %while3A_69 = arith.addi %while3A_67, %while3A_68 : i32
    %while3A_70 = arith.constant 1 : i32
    %while3A_71 = arith.divsi %while3A_68, %while3A_70 : i32
    %while3A_72 = arith.muli %while3A_71, %while3A_70 : i32
    %while3A_73 = arith.addi %while3A_67, %while3A_72 : i32
    %while3A_74 = arith.constant 1 : i32
    scf.for %while3A_82 = %while3A_67 to %while3A_73 step %while3A_74  : i32 {
      %rem3A_83 = arith.constant 2 : i32
      %rem3A_84 = arith.remsi %while3A_82, %rem3A_83 : i32
      %eq3A_85 = arith.constant 0 : i32
      %eq3A_86 = arith.cmpi eq, %rem3A_84, %eq3A_85 : i32
      %convert_element_type3A_87 = arith.extui %eq3A_86 : i1 to i32
      %cond3A_88 = arith.constant 0 : i32
      %cond3A_89 = arith.cmpi ne, %convert_element_type3A_87, %cond3A_88 : i32
      scf.if %cond3A_89 {
        %add3A_97 = arith.constant 1 : i32
        %add3A_98 = arith.addi %while3A_82, %add3A_97 : i32
        %lt3A = arith.cmpi slt, %add3A_98, %select_n3A : i32
        %convert_element_type3A_99 = arith.extui %lt3A : i1 to i32
        %cond3A_100 = arith.constant 0 : i32
        %cond3A_101 = arith.cmpi ne, %convert_element_type3A_99, %cond3A_100 : i32
        scf.if %cond3A_101 {
          %dma_wait3A_123 = arith.constant 0 : i32
          %dma_wait3A_124 = tpu.memref_slice %arg4[%dma_wait3A_123] : memref<320000xi32, #tpu.memory_space<hbm>> -> memref<160xi32, #tpu.memory_space<hbm>>
          %dma_wait3A_125 = arith.constant 0 : i32
          %dma_wait3A_126 = tpu.memref_slice %arg4[%dma_wait3A_125] : memref<320000xi32, #tpu.memory_space<hbm>> -> memref<160xi32, #tpu.memory_space<hbm>>
          tpu.wait_dma2 semaphore(%arg22 : memref<!tpu.dma_semaphore, #tpu.memory_space<semaphore_mem>>) src(%dma_wait3A_126 : memref<160xi32, #tpu.memory_space<hbm>>) dst(%arg11 : memref<160xi32, #tpu.memory_space<vmem>>)
          %dma_wait3A_127 = arith.constant 0 : i32
          %dma_wait3A_128 = tpu.memref_slice %arg5[%dma_wait3A_127] : memref<320000xi32, #tpu.memory_space<hbm>> -> memref<160xi32, #tpu.memory_space<hbm>>
          %dma_wait3A_129 = arith.constant 0 : i32
          %dma_wait3A_130 = tpu.memref_slice %arg5[%dma_wait3A_129] : memref<320000xi32, #tpu.memory_space<hbm>> -> memref<160xi32, #tpu.memory_space<hbm>>
          tpu.wait_dma2 semaphore(%arg22 : memref<!tpu.dma_semaphore, #tpu.memory_space<semaphore_mem>>) src(%dma_wait3A_130 : memref<160xi32, #tpu.memory_space<hbm>>) dst(%arg13 : memref<160xi32, #tpu.memory_space<vmem>>)
          %dma_start3A_131 = arith.constant 0 : i32
          %dma_start3A_132 = arith.constant 0 : i32
          %dma_start3A_133 = tpu.memref_slice %arg2[%dma_start3A_131, %dma_start3A_132] : memref<5120x128xf32, #tpu.memory_space<hbm>> -> memref<5120x128xf32, #tpu.memory_space<hbm>>
          tpu.enqueue_indirect_dma source(%dma_start3A_133 : memref<5120x128xf32, #tpu.memory_space<hbm>>) target(%arg15 : memref<160x128xf32, #tpu.memory_space<vmem>>) offsets(%arg11 : memref<160xi32, #tpu.memory_space<vmem>>) semaphore(%arg24 : memref<!tpu.dma_semaphore, #tpu.memory_space<semaphore_mem>>)
          %dma_start3A_134 = arith.constant 0 : i32
          %dma_start3A_135 = tpu.memref_slice %arg18[%dma_start3A_134] : memref<5120xf32, #tpu.memory_space<vmem_shared>> -> memref<5120xf32, #tpu.memory_space<vmem_shared>>
          tpu.enqueue_indirect_dma source(%dma_start3A_135 : memref<5120xf32, #tpu.memory_space<vmem_shared>>) target(%arg17 : memref<160xf32, #tpu.memory_space<vmem>>) offsets(%arg11 : memref<160xi32, #tpu.memory_space<vmem>>) semaphore(%arg26 : memref<!tpu.dma_semaphore, #tpu.memory_space<semaphore_mem>>)
        } else {
        }
        %dma_wait3A_102 = arith.constant 0 : i32
        %dma_wait3A_103 = arith.constant 0 : i32
        %dma_wait3A_104 = tpu.memref_slice %arg2[%dma_wait3A_102, %dma_wait3A_103] : memref<5120x128xf32, #tpu.memory_space<hbm>> -> memref<5120x128xf32, #tpu.memory_space<hbm>>
        tpu.wait_indirect_dma semaphore(%arg23 : memref<!tpu.dma_semaphore, #tpu.memory_space<semaphore_mem>>) src(%dma_wait3A_104 : memref<5120x128xf32, #tpu.memory_space<hbm>>) dst(%arg14 : memref<160x128xf32, #tpu.memory_space<vmem>>)
        %dma_wait3A_105 = arith.constant 0 : i32
        %dma_wait3A_106 = tpu.memref_slice %arg18[%dma_wait3A_105] : memref<5120xf32, #tpu.memory_space<vmem_shared>> -> memref<5120xf32, #tpu.memory_space<vmem_shared>>
        tpu.wait_indirect_dma semaphore(%arg25 : memref<!tpu.dma_semaphore, #tpu.memory_space<semaphore_mem>>) src(%dma_wait3A_106 : memref<5120xf32, #tpu.memory_space<vmem_shared>>) dst(%arg16 : memref<160xf32, #tpu.memory_space<vmem>>)
        %dma_start3A_107 = arith.constant 0 : i32
        %dma_start3A_108 = arith.constant 0 : i32
        %dma_start3A_109 = tpu.memref_slice %arg19[%dma_start3A_107, %dma_start3A_108] : memref<10112x128xf32, #tpu.memory_space<vmem_shared>> -> memref<10112x128xf32, #tpu.memory_space<vmem_shared>>
        tpu.enqueue_indirect_dma source(%arg14 : memref<160x128xf32, #tpu.memory_space<vmem>>) target(%dma_start3A_109 : memref<10112x128xf32, #tpu.memory_space<vmem_shared>>) offsets(%arg12 : memref<160xi32, #tpu.memory_space<vmem>>) semaphore(%arg27 : memref<!tpu.dma_semaphore, #tpu.memory_space<semaphore_mem>>) {add = true}
        %dma_start3A_110 = arith.constant 0 : i32
        %dma_start3A_111 = tpu.memref_slice %arg20[%dma_start3A_110] : memref<10112xf32, #tpu.memory_space<vmem_shared>> -> memref<10112xf32, #tpu.memory_space<vmem_shared>>
        tpu.enqueue_indirect_dma source(%arg16 : memref<160xf32, #tpu.memory_space<vmem>>) target(%dma_start3A_111 : memref<10112xf32, #tpu.memory_space<vmem_shared>>) offsets(%arg12 : memref<160xi32, #tpu.memory_space<vmem>>) semaphore(%arg29 : memref<!tpu.dma_semaphore, #tpu.memory_space<semaphore_mem>>) {add = true}
        %dma_wait3A_112 = arith.constant 0 : i32
        %dma_wait3A_113 = arith.constant 0 : i32
        %dma_wait3A_114 = tpu.memref_slice %arg19[%dma_wait3A_112, %dma_wait3A_113] : memref<10112x128xf32, #tpu.memory_space<vmem_shared>> -> memref<10112x128xf32, #tpu.memory_space<vmem_shared>>
        tpu.wait_indirect_dma semaphore(%arg27 : memref<!tpu.dma_semaphore, #tpu.memory_space<semaphore_mem>>) src(%arg14 : memref<160x128xf32, #tpu.memory_space<vmem>>) dst(%dma_wait3A_114 : memref<10112x128xf32, #tpu.memory_space<vmem_shared>>)
        %dma_wait3A_115 = arith.constant 0 : i32
        %dma_wait3A_116 = tpu.memref_slice %arg20[%dma_wait3A_115] : memref<10112xf32, #tpu.memory_space<vmem_shared>> -> memref<10112xf32, #tpu.memory_space<vmem_shared>>
        tpu.wait_indirect_dma semaphore(%arg29 : memref<!tpu.dma_semaphore, #tpu.memory_space<semaphore_mem>>) src(%arg16 : memref<160xf32, #tpu.memory_space<vmem>>) dst(%dma_wait3A_116 : memref<10112xf32, #tpu.memory_space<vmem_shared>>)
        %add3A_117 = arith.constant 2 : i32
        %add3A_118 = arith.addi %while3A_82, %add3A_117 : i32
        %lt3A_119 = arith.cmpi slt, %add3A_118, %select_n3A : i32
        %convert_element_type3A_120 = arith.extui %lt3A_119 : i1 to i32
        %cond3A_121 = arith.constant 0 : i32
        %cond3A_122 = arith.cmpi ne, %convert_element_type3A_120, %cond3A_121 : i32
        scf.if %cond3A_122 {
          %add3A_123 = arith.constant 2 : i32
          %add3A_124 = arith.addi %while3A_82, %add3A_123 : i32
          %mul3A_125 = arith.constant 32 : i32
          %mul3A_126 = arith.muli %mul3A_125, %add3A_124 : i32
          %add3A_127 = arith.addi %add3A, %mul3A_126 : i32
          %mul3A_128 = arith.constant 160 : i32
          %mul3A_129 = arith.muli %add3A_127, %mul3A_128 : i32
          %dma_start3A_130 = tpu.memref_slice %arg4[%mul3A_129] : memref<320000xi32, #tpu.memory_space<hbm>> -> memref<160xi32, #tpu.memory_space<hbm>>
          %dma_start3A_131 = tpu.memref_slice %arg4[%mul3A_129] : memref<320000xi32, #tpu.memory_space<hbm>> -> memref<160xi32, #tpu.memory_space<hbm>>
          tpu.enqueue_dma source(%dma_start3A_131 : memref<160xi32, #tpu.memory_space<hbm>>) target(%arg10 : memref<160xi32, #tpu.memory_space<vmem>>) target_semaphore(%arg21 : memref<!tpu.dma_semaphore, #tpu.memory_space<semaphore_mem>>)
          %dma_start3A_132 = tpu.memref_slice %arg5[%mul3A_129] : memref<320000xi32, #tpu.memory_space<hbm>> -> memref<160xi32, #tpu.memory_space<hbm>>
          %dma_start3A_133 = tpu.memref_slice %arg5[%mul3A_129] : memref<320000xi32, #tpu.memory_space<hbm>> -> memref<160xi32, #tpu.memory_space<hbm>>
          tpu.enqueue_dma source(%dma_start3A_133 : memref<160xi32, #tpu.memory_space<hbm>>) target(%arg12 : memref<160xi32, #tpu.memory_space<vmem>>) target_semaphore(%arg21 : memref<!tpu.dma_semaphore, #tpu.memory_space<semaphore_mem>>)
        } else {
        }
      } else {
      }
      %rem3A_90 = arith.constant 2 : i32
      %rem3A_91 = arith.remsi %while3A_82, %rem3A_90 : i32
      %eq3A_92 = arith.constant 1 : i32
      %eq3A_93 = arith.cmpi eq, %rem3A_91, %eq3A_92 : i32
      %convert_element_type3A_94 = arith.extui %eq3A_93 : i1 to i32
      %cond3A_95 = arith.constant 0 : i32
      %cond3A_96 = arith.cmpi ne, %convert_element_type3A_94, %cond3A_95 : i32
      scf.if %cond3A_96 {
        %add3A_97 = arith.constant 1 : i32
        %add3A_98 = arith.addi %while3A_82, %add3A_97 : i32
        %lt3A = arith.cmpi slt, %add3A_98, %select_n3A : i32
        %convert_element_type3A_99 = arith.extui %lt3A : i1 to i32
        %cond3A_100 = arith.constant 0 : i32
        %cond3A_101 = arith.cmpi ne, %convert_element_type3A_99, %cond3A_100 : i32
        scf.if %cond3A_101 {
          %dma_wait3A_123 = arith.constant 0 : i32
          %dma_wait3A_124 = tpu.memref_slice %arg4[%dma_wait3A_123] : memref<320000xi32, #tpu.memory_space<hbm>> -> memref<160xi32, #tpu.memory_space<hbm>>
          %dma_wait3A_125 = arith.constant 0 : i32
          %dma_wait3A_126 = tpu.memref_slice %arg4[%dma_wait3A_125] : memref<320000xi32, #tpu.memory_space<hbm>> -> memref<160xi32, #tpu.memory_space<hbm>>
          tpu.wait_dma2 semaphore(%arg21 : memref<!tpu.dma_semaphore, #tpu.memory_space<semaphore_mem>>) src(%dma_wait3A_126 : memref<160xi32, #tpu.memory_space<hbm>>) dst(%arg10 : memref<160xi32, #tpu.memory_space<vmem>>)
          %dma_wait3A_127 = arith.constant 0 : i32
          %dma_wait3A_128 = tpu.memref_slice %arg5[%dma_wait3A_127] : memref<320000xi32, #tpu.memory_space<hbm>> -> memref<160xi32, #tpu.memory_space<hbm>>
          %dma_wait3A_129 = arith.constant 0 : i32
          %dma_wait3A_130 = tpu.memref_slice %arg5[%dma_wait3A_129] : memref<320000xi32, #tpu.memory_space<hbm>> -> memref<160xi32, #tpu.memory_space<hbm>>
          tpu.wait_dma2 semaphore(%arg21 : memref<!tpu.dma_semaphore, #tpu.memory_space<semaphore_mem>>) src(%dma_wait3A_130 : memref<160xi32, #tpu.memory_space<hbm>>) dst(%arg12 : memref<160xi32, #tpu.memory_space<vmem>>)
          %dma_start3A_131 = arith.constant 0 : i32
          %dma_start3A_132 = arith.constant 0 : i32
          %dma_start3A_133 = tpu.memref_slice %arg2[%dma_start3A_131, %dma_start3A_132] : memref<5120x128xf32, #tpu.memory_space<hbm>> -> memref<5120x128xf32, #tpu.memory_space<hbm>>
          tpu.enqueue_indirect_dma source(%dma_start3A_133 : memref<5120x128xf32, #tpu.memory_space<hbm>>) target(%arg14 : memref<160x128xf32, #tpu.memory_space<vmem>>) offsets(%arg10 : memref<160xi32, #tpu.memory_space<vmem>>) semaphore(%arg23 : memref<!tpu.dma_semaphore, #tpu.memory_space<semaphore_mem>>)
          %dma_start3A_134 = arith.constant 0 : i32
          %dma_start3A_135 = tpu.memref_slice %arg18[%dma_start3A_134] : memref<5120xf32, #tpu.memory_space<vmem_shared>> -> memref<5120xf32, #tpu.memory_space<vmem_shared>>
          tpu.enqueue_indirect_dma source(%dma_start3A_135 : memref<5120xf32, #tpu.memory_space<vmem_shared>>) target(%arg16 : memref<160xf32, #tpu.memory_space<vmem>>) offsets(%arg10 : memref<160xi32, #tpu.memory_space<vmem>>) semaphore(%arg25 : memref<!tpu.dma_semaphore, #tpu.memory_space<semaphore_mem>>)
        } else {
        }
        %dma_wait3A_102 = arith.constant 0 : i32
        %dma_wait3A_103 = arith.constant 0 : i32
        %dma_wait3A_104 = tpu.memref_slice %arg2[%dma_wait3A_102, %dma_wait3A_103] : memref<5120x128xf32, #tpu.memory_space<hbm>> -> memref<5120x128xf32, #tpu.memory_space<hbm>>
        tpu.wait_indirect_dma semaphore(%arg24 : memref<!tpu.dma_semaphore, #tpu.memory_space<semaphore_mem>>) src(%dma_wait3A_104 : memref<5120x128xf32, #tpu.memory_space<hbm>>) dst(%arg15 : memref<160x128xf32, #tpu.memory_space<vmem>>)
        %dma_wait3A_105 = arith.constant 0 : i32
        %dma_wait3A_106 = tpu.memref_slice %arg18[%dma_wait3A_105] : memref<5120xf32, #tpu.memory_space<vmem_shared>> -> memref<5120xf32, #tpu.memory_space<vmem_shared>>
        tpu.wait_indirect_dma semaphore(%arg26 : memref<!tpu.dma_semaphore, #tpu.memory_space<semaphore_mem>>) src(%dma_wait3A_106 : memref<5120xf32, #tpu.memory_space<vmem_shared>>) dst(%arg17 : memref<160xf32, #tpu.memory_space<vmem>>)
        %dma_start3A_107 = arith.constant 0 : i32
        %dma_start3A_108 = arith.constant 0 : i32
        %dma_start3A_109 = tpu.memref_slice %arg19[%dma_start3A_107, %dma_start3A_108] : memref<10112x128xf32, #tpu.memory_space<vmem_shared>> -> memref<10112x128xf32, #tpu.memory_space<vmem_shared>>
        tpu.enqueue_indirect_dma source(%arg15 : memref<160x128xf32, #tpu.memory_space<vmem>>) target(%dma_start3A_109 : memref<10112x128xf32, #tpu.memory_space<vmem_shared>>) offsets(%arg13 : memref<160xi32, #tpu.memory_space<vmem>>) semaphore(%arg28 : memref<!tpu.dma_semaphore, #tpu.memory_space<semaphore_mem>>) {add = true}
        %dma_start3A_110 = arith.constant 0 : i32
        %dma_start3A_111 = tpu.memref_slice %arg20[%dma_start3A_110] : memref<10112xf32, #tpu.memory_space<vmem_shared>> -> memref<10112xf32, #tpu.memory_space<vmem_shared>>
        tpu.enqueue_indirect_dma source(%arg17 : memref<160xf32, #tpu.memory_space<vmem>>) target(%dma_start3A_111 : memref<10112xf32, #tpu.memory_space<vmem_shared>>) offsets(%arg13 : memref<160xi32, #tpu.memory_space<vmem>>) semaphore(%arg30 : memref<!tpu.dma_semaphore, #tpu.memory_space<semaphore_mem>>) {add = true}
        %dma_wait3A_112 = arith.constant 0 : i32
        %dma_wait3A_113 = arith.constant 0 : i32
        %dma_wait3A_114 = tpu.memref_slice %arg19[%dma_wait3A_112, %dma_wait3A_113] : memref<10112x128xf32, #tpu.memory_space<vmem_shared>> -> memref<10112x128xf32, #tpu.memory_space<vmem_shared>>
        tpu.wait_indirect_dma semaphore(%arg28 : memref<!tpu.dma_semaphore, #tpu.memory_space<semaphore_mem>>) src(%arg15 : memref<160x128xf32, #tpu.memory_space<vmem>>) dst(%dma_wait3A_114 : memref<10112x128xf32, #tpu.memory_space<vmem_shared>>)
        %dma_wait3A_115 = arith.constant 0 : i32
        %dma_wait3A_116 = tpu.memref_slice %arg20[%dma_wait3A_115] : memref<10112xf32, #tpu.memory_space<vmem_shared>> -> memref<10112xf32, #tpu.memory_space<vmem_shared>>
        tpu.wait_indirect_dma semaphore(%arg30 : memref<!tpu.dma_semaphore, #tpu.memory_space<semaphore_mem>>) src(%arg17 : memref<160xf32, #tpu.memory_space<vmem>>) dst(%dma_wait3A_116 : memref<10112xf32, #tpu.memory_space<vmem_shared>>)
        %add3A_117 = arith.constant 2 : i32
        %add3A_118 = arith.addi %while3A_82, %add3A_117 : i32
        %lt3A_119 = arith.cmpi slt, %add3A_118, %select_n3A : i32
        %convert_element_type3A_120 = arith.extui %lt3A_119 : i1 to i32
        %cond3A_121 = arith.constant 0 : i32
        %cond3A_122 = arith.cmpi ne, %convert_element_type3A_120, %cond3A_121 : i32
        scf.if %cond3A_122 {
          %add3A_123 = arith.constant 2 : i32
          %add3A_124 = arith.addi %while3A_82, %add3A_123 : i32
          %mul3A_125 = arith.constant 32 : i32
          %mul3A_126 = arith.muli %mul3A_125, %add3A_124 : i32
          %add3A_127 = arith.addi %add3A, %mul3A_126 : i32
          %mul3A_128 = arith.constant 160 : i32
          %mul3A_129 = arith.muli %add3A_127, %mul3A_128 : i32
          %dma_start3A_130 = tpu.memref_slice %arg4[%mul3A_129] : memref<320000xi32, #tpu.memory_space<hbm>> -> memref<160xi32, #tpu.memory_space<hbm>>
          %dma_start3A_131 = tpu.memref_slice %arg4[%mul3A_129] : memref<320000xi32, #tpu.memory_space<hbm>> -> memref<160xi32, #tpu.memory_space<hbm>>
          tpu.enqueue_dma source(%dma_start3A_131 : memref<160xi32, #tpu.memory_space<hbm>>) target(%arg11 : memref<160xi32, #tpu.memory_space<vmem>>) target_semaphore(%arg22 : memref<!tpu.dma_semaphore, #tpu.memory_space<semaphore_mem>>)
          %dma_start3A_132 = tpu.memref_slice %arg5[%mul3A_129] : memref<320000xi32, #tpu.memory_space<hbm>> -> memref<160xi32, #tpu.memory_space<hbm>>
          %dma_start3A_133 = tpu.memref_slice %arg5[%mul3A_129] : memref<320000xi32, #tpu.memory_space<hbm>> -> memref<160xi32, #tpu.memory_space<hbm>>
          tpu.enqueue_dma source(%dma_start3A_133 : memref<160xi32, #tpu.memory_space<hbm>>) target(%arg13 : memref<160xi32, #tpu.memory_space<vmem>>) target_semaphore(%arg22 : memref<!tpu.dma_semaphore, #tpu.memory_space<semaphore_mem>>)
        } else {
        }
      } else {
      }
    }
    %while3A_75 = arith.constant 1 : i32
    scf.for %while3A_82 = %while3A_73 to %while3A_69 step %while3A_75  : i32 {
      %rem3A_83 = arith.constant 2 : i32
      %rem3A_84 = arith.remsi %while3A_82, %rem3A_83 : i32
      %eq3A_85 = arith.constant 0 : i32
      %eq3A_86 = arith.cmpi eq, %rem3A_84, %eq3A_85 : i32
      %convert_element_type3A_87 = arith.extui %eq3A_86 : i1 to i32
      %cond3A_88 = arith.constant 0 : i32
      %cond3A_89 = arith.cmpi ne, %convert_element_type3A_87, %cond3A_88 : i32
      scf.if %cond3A_89 {
        %add3A_97 = arith.constant 1 : i32
        %add3A_98 = arith.addi %while3A_82, %add3A_97 : i32
        %lt3A = arith.cmpi slt, %add3A_98, %select_n3A : i32
        %convert_element_type3A_99 = arith.extui %lt3A : i1 to i32
        %cond3A_100 = arith.constant 0 : i32
        %cond3A_101 = arith.cmpi ne, %convert_element_type3A_99, %cond3A_100 : i32
        scf.if %cond3A_101 {
          %dma_wait3A_123 = arith.constant 0 : i32
          %dma_wait3A_124 = tpu.memref_slice %arg4[%dma_wait3A_123] : memref<320000xi32, #tpu.memory_space<hbm>> -> memref<160xi32, #tpu.memory_space<hbm>>
          %dma_wait3A_125 = arith.constant 0 : i32
          %dma_wait3A_126 = tpu.memref_slice %arg4[%dma_wait3A_125] : memref<320000xi32, #tpu.memory_space<hbm>> -> memref<160xi32, #tpu.memory_space<hbm>>
          tpu.wait_dma2 semaphore(%arg22 : memref<!tpu.dma_semaphore, #tpu.memory_space<semaphore_mem>>) src(%dma_wait3A_126 : memref<160xi32, #tpu.memory_space<hbm>>) dst(%arg11 : memref<160xi32, #tpu.memory_space<vmem>>)
          %dma_wait3A_127 = arith.constant 0 : i32
          %dma_wait3A_128 = tpu.memref_slice %arg5[%dma_wait3A_127] : memref<320000xi32, #tpu.memory_space<hbm>> -> memref<160xi32, #tpu.memory_space<hbm>>
          %dma_wait3A_129 = arith.constant 0 : i32
          %dma_wait3A_130 = tpu.memref_slice %arg5[%dma_wait3A_129] : memref<320000xi32, #tpu.memory_space<hbm>> -> memref<160xi32, #tpu.memory_space<hbm>>
          tpu.wait_dma2 semaphore(%arg22 : memref<!tpu.dma_semaphore, #tpu.memory_space<semaphore_mem>>) src(%dma_wait3A_130 : memref<160xi32, #tpu.memory_space<hbm>>) dst(%arg13 : memref<160xi32, #tpu.memory_space<vmem>>)
          %dma_start3A_131 = arith.constant 0 : i32
          %dma_start3A_132 = arith.constant 0 : i32
          %dma_start3A_133 = tpu.memref_slice %arg2[%dma_start3A_131, %dma_start3A_132] : memref<5120x128xf32, #tpu.memory_space<hbm>> -> memref<5120x128xf32, #tpu.memory_space<hbm>>
          tpu.enqueue_indirect_dma source(%dma_start3A_133 : memref<5120x128xf32, #tpu.memory_space<hbm>>) target(%arg15 : memref<160x128xf32, #tpu.memory_space<vmem>>) offsets(%arg11 : memref<160xi32, #tpu.memory_space<vmem>>) semaphore(%arg24 : memref<!tpu.dma_semaphore, #tpu.memory_space<semaphore_mem>>)
          %dma_start3A_134 = arith.constant 0 : i32
          %dma_start3A_135 = tpu.memref_slice %arg18[%dma_start3A_134] : memref<5120xf32, #tpu.memory_space<vmem_shared>> -> memref<5120xf32, #tpu.memory_space<vmem_shared>>
          tpu.enqueue_indirect_dma source(%dma_start3A_135 : memref<5120xf32, #tpu.memory_space<vmem_shared>>) target(%arg17 : memref<160xf32, #tpu.memory_space<vmem>>) offsets(%arg11 : memref<160xi32, #tpu.memory_space<vmem>>) semaphore(%arg26 : memref<!tpu.dma_semaphore, #tpu.memory_space<semaphore_mem>>)
        } else {
        }
        %dma_wait3A_102 = arith.constant 0 : i32
        %dma_wait3A_103 = arith.constant 0 : i32
        %dma_wait3A_104 = tpu.memref_slice %arg2[%dma_wait3A_102, %dma_wait3A_103] : memref<5120x128xf32, #tpu.memory_space<hbm>> -> memref<5120x128xf32, #tpu.memory_space<hbm>>
        tpu.wait_indirect_dma semaphore(%arg23 : memref<!tpu.dma_semaphore, #tpu.memory_space<semaphore_mem>>) src(%dma_wait3A_104 : memref<5120x128xf32, #tpu.memory_space<hbm>>) dst(%arg14 : memref<160x128xf32, #tpu.memory_space<vmem>>)
        %dma_wait3A_105 = arith.constant 0 : i32
        %dma_wait3A_106 = tpu.memref_slice %arg18[%dma_wait3A_105] : memref<5120xf32, #tpu.memory_space<vmem_shared>> -> memref<5120xf32, #tpu.memory_space<vmem_shared>>
        tpu.wait_indirect_dma semaphore(%arg25 : memref<!tpu.dma_semaphore, #tpu.memory_space<semaphore_mem>>) src(%dma_wait3A_106 : memref<5120xf32, #tpu.memory_space<vmem_shared>>) dst(%arg16 : memref<160xf32, #tpu.memory_space<vmem>>)
        %dma_start3A_107 = arith.constant 0 : i32
        %dma_start3A_108 = arith.constant 0 : i32
        %dma_start3A_109 = tpu.memref_slice %arg19[%dma_start3A_107, %dma_start3A_108] : memref<10112x128xf32, #tpu.memory_space<vmem_shared>> -> memref<10112x128xf32, #tpu.memory_space<vmem_shared>>
        tpu.enqueue_indirect_dma source(%arg14 : memref<160x128xf32, #tpu.memory_space<vmem>>) target(%dma_start3A_109 : memref<10112x128xf32, #tpu.memory_space<vmem_shared>>) offsets(%arg12 : memref<160xi32, #tpu.memory_space<vmem>>) semaphore(%arg27 : memref<!tpu.dma_semaphore, #tpu.memory_space<semaphore_mem>>) {add = true}
        %dma_start3A_110 = arith.constant 0 : i32
        %dma_start3A_111 = tpu.memref_slice %arg20[%dma_start3A_110] : memref<10112xf32, #tpu.memory_space<vmem_shared>> -> memref<10112xf32, #tpu.memory_space<vmem_shared>>
        tpu.enqueue_indirect_dma source(%arg16 : memref<160xf32, #tpu.memory_space<vmem>>) target(%dma_start3A_111 : memref<10112xf32, #tpu.memory_space<vmem_shared>>) offsets(%arg12 : memref<160xi32, #tpu.memory_space<vmem>>) semaphore(%arg29 : memref<!tpu.dma_semaphore, #tpu.memory_space<semaphore_mem>>) {add = true}
        %dma_wait3A_112 = arith.constant 0 : i32
        %dma_wait3A_113 = arith.constant 0 : i32
        %dma_wait3A_114 = tpu.memref_slice %arg19[%dma_wait3A_112, %dma_wait3A_113] : memref<10112x128xf32, #tpu.memory_space<vmem_shared>> -> memref<10112x128xf32, #tpu.memory_space<vmem_shared>>
        tpu.wait_indirect_dma semaphore(%arg27 : memref<!tpu.dma_semaphore, #tpu.memory_space<semaphore_mem>>) src(%arg14 : memref<160x128xf32, #tpu.memory_space<vmem>>) dst(%dma_wait3A_114 : memref<10112x128xf32, #tpu.memory_space<vmem_shared>>)
        %dma_wait3A_115 = arith.constant 0 : i32
        %dma_wait3A_116 = tpu.memref_slice %arg20[%dma_wait3A_115] : memref<10112xf32, #tpu.memory_space<vmem_shared>> -> memref<10112xf32, #tpu.memory_space<vmem_shared>>
        tpu.wait_indirect_dma semaphore(%arg29 : memref<!tpu.dma_semaphore, #tpu.memory_space<semaphore_mem>>) src(%arg16 : memref<160xf32, #tpu.memory_space<vmem>>) dst(%dma_wait3A_116 : memref<10112xf32, #tpu.memory_space<vmem_shared>>)
        %add3A_117 = arith.constant 2 : i32
        %add3A_118 = arith.addi %while3A_82, %add3A_117 : i32
        %lt3A_119 = arith.cmpi slt, %add3A_118, %select_n3A : i32
        %convert_element_type3A_120 = arith.extui %lt3A_119 : i1 to i32
        %cond3A_121 = arith.constant 0 : i32
        %cond3A_122 = arith.cmpi ne, %convert_element_type3A_120, %cond3A_121 : i32
        scf.if %cond3A_122 {
          %add3A_123 = arith.constant 2 : i32
          %add3A_124 = arith.addi %while3A_82, %add3A_123 : i32
          %mul3A_125 = arith.constant 32 : i32
          %mul3A_126 = arith.muli %mul3A_125, %add3A_124 : i32
          %add3A_127 = arith.addi %add3A, %mul3A_126 : i32
          %mul3A_128 = arith.constant 160 : i32
          %mul3A_129 = arith.muli %add3A_127, %mul3A_128 : i32
          %dma_start3A_130 = tpu.memref_slice %arg4[%mul3A_129] : memref<320000xi32, #tpu.memory_space<hbm>> -> memref<160xi32, #tpu.memory_space<hbm>>
          %dma_start3A_131 = tpu.memref_slice %arg4[%mul3A_129] : memref<320000xi32, #tpu.memory_space<hbm>> -> memref<160xi32, #tpu.memory_space<hbm>>
          tpu.enqueue_dma source(%dma_start3A_131 : memref<160xi32, #tpu.memory_space<hbm>>) target(%arg10 : memref<160xi32, #tpu.memory_space<vmem>>) target_semaphore(%arg21 : memref<!tpu.dma_semaphore, #tpu.memory_space<semaphore_mem>>)
          %dma_start3A_132 = tpu.memref_slice %arg5[%mul3A_129] : memref<320000xi32, #tpu.memory_space<hbm>> -> memref<160xi32, #tpu.memory_space<hbm>>
          %dma_start3A_133 = tpu.memref_slice %arg5[%mul3A_129] : memref<320000xi32, #tpu.memory_space<hbm>> -> memref<160xi32, #tpu.memory_space<hbm>>
          tpu.enqueue_dma source(%dma_start3A_133 : memref<160xi32, #tpu.memory_space<hbm>>) target(%arg12 : memref<160xi32, #tpu.memory_space<vmem>>) target_semaphore(%arg21 : memref<!tpu.dma_semaphore, #tpu.memory_space<semaphore_mem>>)
        } else {
        }
      } else {
      }
      %rem3A_90 = arith.constant 2 : i32
      %rem3A_91 = arith.remsi %while3A_82, %rem3A_90 : i32
      %eq3A_92 = arith.constant 1 : i32
      %eq3A_93 = arith.cmpi eq, %rem3A_91, %eq3A_92 : i32
      %convert_element_type3A_94 = arith.extui %eq3A_93 : i1 to i32
      %cond3A_95 = arith.constant 0 : i32
      %cond3A_96 = arith.cmpi ne, %convert_element_type3A_94, %cond3A_95 : i32
      scf.if %cond3A_96 {
        %add3A_97 = arith.constant 1 : i32
        %add3A_98 = arith.addi %while3A_82, %add3A_97 : i32
        %lt3A = arith.cmpi slt, %add3A_98, %select_n3A : i32
        %convert_element_type3A_99 = arith.extui %lt3A : i1 to i32
        %cond3A_100 = arith.constant 0 : i32
        %cond3A_101 = arith.cmpi ne, %convert_element_type3A_99, %cond3A_100 : i32
        scf.if %cond3A_101 {
          %dma_wait3A_123 = arith.constant 0 : i32
          %dma_wait3A_124 = tpu.memref_slice %arg4[%dma_wait3A_123] : memref<320000xi32, #tpu.memory_space<hbm>> -> memref<160xi32, #tpu.memory_space<hbm>>
          %dma_wait3A_125 = arith.constant 0 : i32
          %dma_wait3A_126 = tpu.memref_slice %arg4[%dma_wait3A_125] : memref<320000xi32, #tpu.memory_space<hbm>> -> memref<160xi32, #tpu.memory_space<hbm>>
          tpu.wait_dma2 semaphore(%arg21 : memref<!tpu.dma_semaphore, #tpu.memory_space<semaphore_mem>>) src(%dma_wait3A_126 : memref<160xi32, #tpu.memory_space<hbm>>) dst(%arg10 : memref<160xi32, #tpu.memory_space<vmem>>)
          %dma_wait3A_127 = arith.constant 0 : i32
          %dma_wait3A_128 = tpu.memref_slice %arg5[%dma_wait3A_127] : memref<320000xi32, #tpu.memory_space<hbm>> -> memref<160xi32, #tpu.memory_space<hbm>>
          %dma_wait3A_129 = arith.constant 0 : i32
          %dma_wait3A_130 = tpu.memref_slice %arg5[%dma_wait3A_129] : memref<320000xi32, #tpu.memory_space<hbm>> -> memref<160xi32, #tpu.memory_space<hbm>>
          tpu.wait_dma2 semaphore(%arg21 : memref<!tpu.dma_semaphore, #tpu.memory_space<semaphore_mem>>) src(%dma_wait3A_130 : memref<160xi32, #tpu.memory_space<hbm>>) dst(%arg12 : memref<160xi32, #tpu.memory_space<vmem>>)
          %dma_start3A_131 = arith.constant 0 : i32
          %dma_start3A_132 = arith.constant 0 : i32
          %dma_start3A_133 = tpu.memref_slice %arg2[%dma_start3A_131, %dma_start3A_132] : memref<5120x128xf32, #tpu.memory_space<hbm>> -> memref<5120x128xf32, #tpu.memory_space<hbm>>
          tpu.enqueue_indirect_dma source(%dma_start3A_133 : memref<5120x128xf32, #tpu.memory_space<hbm>>) target(%arg14 : memref<160x128xf32, #tpu.memory_space<vmem>>) offsets(%arg10 : memref<160xi32, #tpu.memory_space<vmem>>) semaphore(%arg23 : memref<!tpu.dma_semaphore, #tpu.memory_space<semaphore_mem>>)
          %dma_start3A_134 = arith.constant 0 : i32
          %dma_start3A_135 = tpu.memref_slice %arg18[%dma_start3A_134] : memref<5120xf32, #tpu.memory_space<vmem_shared>> -> memref<5120xf32, #tpu.memory_space<vmem_shared>>
          tpu.enqueue_indirect_dma source(%dma_start3A_135 : memref<5120xf32, #tpu.memory_space<vmem_shared>>) target(%arg16 : memref<160xf32, #tpu.memory_space<vmem>>) offsets(%arg10 : memref<160xi32, #tpu.memory_space<vmem>>) semaphore(%arg25 : memref<!tpu.dma_semaphore, #tpu.memory_space<semaphore_mem>>)
        } else {
        }
        %dma_wait3A_102 = arith.constant 0 : i32
        %dma_wait3A_103 = arith.constant 0 : i32
        %dma_wait3A_104 = tpu.memref_slice %arg2[%dma_wait3A_102, %dma_wait3A_103] : memref<5120x128xf32, #tpu.memory_space<hbm>> -> memref<5120x128xf32, #tpu.memory_space<hbm>>
        tpu.wait_indirect_dma semaphore(%arg24 : memref<!tpu.dma_semaphore, #tpu.memory_space<semaphore_mem>>) src(%dma_wait3A_104 : memref<5120x128xf32, #tpu.memory_space<hbm>>) dst(%arg15 : memref<160x128xf32, #tpu.memory_space<vmem>>)
        %dma_wait3A_105 = arith.constant 0 : i32
        %dma_wait3A_106 = tpu.memref_slice %arg18[%dma_wait3A_105] : memref<5120xf32, #tpu.memory_space<vmem_shared>> -> memref<5120xf32, #tpu.memory_space<vmem_shared>>
        tpu.wait_indirect_dma semaphore(%arg26 : memref<!tpu.dma_semaphore, #tpu.memory_space<semaphore_mem>>) src(%dma_wait3A_106 : memref<5120xf32, #tpu.memory_space<vmem_shared>>) dst(%arg17 : memref<160xf32, #tpu.memory_space<vmem>>)
        %dma_start3A_107 = arith.constant 0 : i32
        %dma_start3A_108 = arith.constant 0 : i32
        %dma_start3A_109 = tpu.memref_slice %arg19[%dma_start3A_107, %dma_start3A_108] : memref<10112x128xf32, #tpu.memory_space<vmem_shared>> -> memref<10112x128xf32, #tpu.memory_space<vmem_shared>>
        tpu.enqueue_indirect_dma source(%arg15 : memref<160x128xf32, #tpu.memory_space<vmem>>) target(%dma_start3A_109 : memref<10112x128xf32, #tpu.memory_space<vmem_shared>>) offsets(%arg13 : memref<160xi32, #tpu.memory_space<vmem>>) semaphore(%arg28 : memref<!tpu.dma_semaphore, #tpu.memory_space<semaphore_mem>>) {add = true}
        %dma_start3A_110 = arith.constant 0 : i32
        %dma_start3A_111 = tpu.memref_slice %arg20[%dma_start3A_110] : memref<10112xf32, #tpu.memory_space<vmem_shared>> -> memref<10112xf32, #tpu.memory_space<vmem_shared>>
        tpu.enqueue_indirect_dma source(%arg17 : memref<160xf32, #tpu.memory_space<vmem>>) target(%dma_start3A_111 : memref<10112xf32, #tpu.memory_space<vmem_shared>>) offsets(%arg13 : memref<160xi32, #tpu.memory_space<vmem>>) semaphore(%arg30 : memref<!tpu.dma_semaphore, #tpu.memory_space<semaphore_mem>>) {add = true}
        %dma_wait3A_112 = arith.constant 0 : i32
        %dma_wait3A_113 = arith.constant 0 : i32
        %dma_wait3A_114 = tpu.memref_slice %arg19[%dma_wait3A_112, %dma_wait3A_113] : memref<10112x128xf32, #tpu.memory_space<vmem_shared>> -> memref<10112x128xf32, #tpu.memory_space<vmem_shared>>
        tpu.wait_indirect_dma semaphore(%arg28 : memref<!tpu.dma_semaphore, #tpu.memory_space<semaphore_mem>>) src(%arg15 : memref<160x128xf32, #tpu.memory_space<vmem>>) dst(%dma_wait3A_114 : memref<10112x128xf32, #tpu.memory_space<vmem_shared>>)
        %dma_wait3A_115 = arith.constant 0 : i32
        %dma_wait3A_116 = tpu.memref_slice %arg20[%dma_wait3A_115] : memref<10112xf32, #tpu.memory_space<vmem_shared>> -> memref<10112xf32, #tpu.memory_space<vmem_shared>>
        tpu.wait_indirect_dma semaphore(%arg30 : memref<!tpu.dma_semaphore, #tpu.memory_space<semaphore_mem>>) src(%arg17 : memref<160xf32, #tpu.memory_space<vmem>>) dst(%dma_wait3A_116 : memref<10112xf32, #tpu.memory_space<vmem_shared>>)
        %add3A_117 = arith.constant 2 : i32
        %add3A_118 = arith.addi %while3A_82, %add3A_117 : i32
        %lt3A_119 = arith.cmpi slt, %add3A_118, %select_n3A : i32
        %convert_element_type3A_120 = arith.extui %lt3A_119 : i1 to i32
        %cond3A_121 = arith.constant 0 : i32
        %cond3A_122 = arith.cmpi ne, %convert_element_type3A_120, %cond3A_121 : i32
        scf.if %cond3A_122 {
          %add3A_123 = arith.constant 2 : i32
          %add3A_124 = arith.addi %while3A_82, %add3A_123 : i32
          %mul3A_125 = arith.constant 32 : i32
          %mul3A_126 = arith.muli %mul3A_125, %add3A_124 : i32
          %add3A_127 = arith.addi %add3A, %mul3A_126 : i32
          %mul3A_128 = arith.constant 160 : i32
          %mul3A_129 = arith.muli %add3A_127, %mul3A_128 : i32
          %dma_start3A_130 = tpu.memref_slice %arg4[%mul3A_129] : memref<320000xi32, #tpu.memory_space<hbm>> -> memref<160xi32, #tpu.memory_space<hbm>>
          %dma_start3A_131 = tpu.memref_slice %arg4[%mul3A_129] : memref<320000xi32, #tpu.memory_space<hbm>> -> memref<160xi32, #tpu.memory_space<hbm>>
          tpu.enqueue_dma source(%dma_start3A_131 : memref<160xi32, #tpu.memory_space<hbm>>) target(%arg11 : memref<160xi32, #tpu.memory_space<vmem>>) target_semaphore(%arg22 : memref<!tpu.dma_semaphore, #tpu.memory_space<semaphore_mem>>)
          %dma_start3A_132 = tpu.memref_slice %arg5[%mul3A_129] : memref<320000xi32, #tpu.memory_space<hbm>> -> memref<160xi32, #tpu.memory_space<hbm>>
          %dma_start3A_133 = tpu.memref_slice %arg5[%mul3A_129] : memref<320000xi32, #tpu.memory_space<hbm>> -> memref<160xi32, #tpu.memory_space<hbm>>
          tpu.enqueue_dma source(%dma_start3A_133 : memref<160xi32, #tpu.memory_space<hbm>>) target(%arg13 : memref<160xi32, #tpu.memory_space<vmem>>) target_semaphore(%arg22 : memref<!tpu.dma_semaphore, #tpu.memory_space<semaphore_mem>>)
        } else {
        }
      } else {
      }
    }
    %barrier3A_76 = arith.constant 0 : index
    tpu.barrier barrier_id(%barrier3A_76)
    "tpu.region"() ({
      %run_scoped3A = tpu.sem_alloc : memref<!tpu.dma_semaphore, #tpu.memory_space<semaphore_mem>>
      %dma_start3A_82 = arith.constant 0 : i32
      %dma_start3A_83 = tpu.memref_slice %arg8[%arg0, %mul3A_0, %dma_start3A_82] : memref<2x10112x128xf32, #tpu.memory_space<hbm>> -> memref<1x632x128xf32, #tpu.memory_space<hbm>>
      %dma_start3A_84 = tpu.memref_squeeze %dma_start3A_83 : memref<1x632x128xf32, #tpu.memory_space<hbm>> -> memref<632x128xf32, #tpu.memory_space<hbm>>
      %dma_start3A_85 = arith.constant 0 : i32
      %dma_start3A_86 = tpu.memref_slice %arg19[%mul3A_0, %dma_start3A_85] : memref<10112x128xf32, #tpu.memory_space<vmem_shared>> -> memref<632x128xf32, #tpu.memory_space<vmem_shared>>
      tpu.enqueue_dma source(%dma_start3A_86 : memref<632x128xf32, #tpu.memory_space<vmem_shared>>) target(%dma_start3A_84 : memref<632x128xf32, #tpu.memory_space<hbm>>) target_semaphore(%run_scoped3A : memref<!tpu.dma_semaphore, #tpu.memory_space<semaphore_mem>>)
      %dma_wait3A_87 = arith.constant 0 : i32
      %dma_wait3A_88 = tpu.memref_slice %arg8[%arg0, %mul3A_0, %dma_wait3A_87] : memref<2x10112x128xf32, #tpu.memory_space<hbm>> -> memref<1x632x128xf32, #tpu.memory_space<hbm>>
      %dma_wait3A_89 = tpu.memref_squeeze %dma_wait3A_88 : memref<1x632x128xf32, #tpu.memory_space<hbm>> -> memref<632x128xf32, #tpu.memory_space<hbm>>
      %dma_wait3A_90 = arith.constant 0 : i32
      %dma_wait3A_91 = tpu.memref_slice %arg19[%mul3A_0, %dma_wait3A_90] : memref<10112x128xf32, #tpu.memory_space<vmem_shared>> -> memref<632x128xf32, #tpu.memory_space<vmem_shared>>
      tpu.wait_dma2 semaphore(%run_scoped3A : memref<!tpu.dma_semaphore, #tpu.memory_space<semaphore_mem>>) src(%dma_wait3A_91 : memref<632x128xf32, #tpu.memory_space<vmem_shared>>) dst(%dma_wait3A_89 : memref<632x128xf32, #tpu.memory_space<hbm>>)
      tpu.yield
    }) : () -> ()
    %eq3A_77 = arith.constant 0 : i32
    %eq3A_78 = arith.cmpi eq, %arg1, %eq3A_77 : i32
    %convert_element_type3A_79 = arith.extui %eq3A_78 : i1 to i32
    %cond3A_80 = arith.constant 0 : i32
    %cond3A_81 = arith.cmpi ne, %convert_element_type3A_79, %cond3A_80 : i32
    scf.if %cond3A_81 {
      %run_scoped3A = arith.constant 0 : i32
      "tpu.region"() ({
        %run_scoped3A_82 = tpu.sem_alloc : memref<!tpu.dma_semaphore, #tpu.memory_space<semaphore_mem>>
        %dma_start3A_83 = arith.constant 0 : i32
        %dma_start3A_84 = tpu.memref_slice %arg9[%arg0, %run_scoped3A, %dma_start3A_83] : memref<2x8x10112xf32, #tpu.memory_space<hbm>> -> memref<1x1x10112xf32, #tpu.memory_space<hbm>>
        %dma_start3A_85 = tpu.memref_squeeze %dma_start3A_84 : memref<1x1x10112xf32, #tpu.memory_space<hbm>> -> memref<10112xf32, #tpu.memory_space<hbm>>
        tpu.enqueue_dma source(%arg20 : memref<10112xf32, #tpu.memory_space<vmem_shared>>) target(%dma_start3A_85 : memref<10112xf32, #tpu.memory_space<hbm>>) target_semaphore(%run_scoped3A_82 : memref<!tpu.dma_semaphore, #tpu.memory_space<semaphore_mem>>)
        %dma_wait3A_86 = arith.constant 0 : i32
        %dma_wait3A_87 = tpu.memref_slice %arg9[%arg0, %run_scoped3A, %dma_wait3A_86] : memref<2x8x10112xf32, #tpu.memory_space<hbm>> -> memref<1x1x10112xf32, #tpu.memory_space<hbm>>
        %dma_wait3A_88 = tpu.memref_squeeze %dma_wait3A_87 : memref<1x1x10112xf32, #tpu.memory_space<hbm>> -> memref<10112xf32, #tpu.memory_space<hbm>>
        tpu.wait_dma2 semaphore(%run_scoped3A_82 : memref<!tpu.dma_semaphore, #tpu.memory_space<semaphore_mem>>) src(%arg20 : memref<10112xf32, #tpu.memory_space<vmem_shared>>) dst(%dma_wait3A_88 : memref<10112xf32, #tpu.memory_space<hbm>>)
        tpu.yield
      }) : () -> ()
    } else {
    }
    return
  }
}

module attributes {stable_mosaic.version = 14 : i64} {
  func.func @_mid_body(%arg0: memref<2x5120x128xf32, #tpu.memory_space<vmem>>, %arg1: memref<2x8x5120xf32, #tpu.memory_space<vmem>>, %arg2: memref<128x1xf32, #tpu.memory_space<vmem>>, %arg3: memref<5120x128xf32, #tpu.memory_space<vmem>>, %arg4: memref<5120x1xf32, #tpu.memory_space<vmem>>) attributes {dimension_semantics = [], scalar_prefetch = 0 : i64, scratch_operands = 0 : i64, tpu.core_type = #tpu.core_type<tc>} {
    %get3A = arith.constant 0 : index
    %get3A_0 = arith.constant 0 : index
    %get3A_1 = arith.constant 0 : index
    %get3A_2 = vector.load %arg0[%get3A, %get3A_0, %get3A_1] : memref<2x5120x128xf32, #tpu.memory_space<vmem>>, vector<1x5120x128xf32>
    %get3A_3 = vector.shape_cast %get3A_2 : vector<1x5120x128xf32> to vector<5120x128xf32>
    %get3A_4 = arith.constant 1 : index
    %get3A_5 = arith.constant 0 : index
    %get3A_6 = arith.constant 0 : index
    %get3A_7 = vector.load %arg0[%get3A_4, %get3A_5, %get3A_6] : memref<2x5120x128xf32, #tpu.memory_space<vmem>>, vector<1x5120x128xf32>
    %get3A_8 = vector.shape_cast %get3A_7 : vector<1x5120x128xf32> to vector<5120x128xf32>
    %add3A = arith.addf %get3A_3, %get3A_8 : vector<5120x128xf32>
    %get3A_9 = arith.constant 0 : index
    %get3A_10 = arith.constant 0 : index
    %get3A_11 = arith.constant 0 : index
    %get3A_12 = vector.load %arg1[%get3A_9, %get3A_10, %get3A_11] : memref<2x8x5120xf32, #tpu.memory_space<vmem>>, vector<1x1x5120xf32>
    %get3A_13 = vector.shape_cast %get3A_12 : vector<1x1x5120xf32> to vector<5120xf32>
    %get3A_14 = arith.constant 1 : index
    %get3A_15 = arith.constant 0 : index
    %get3A_16 = arith.constant 0 : index
    %get3A_17 = vector.load %arg1[%get3A_14, %get3A_15, %get3A_16] : memref<2x8x5120xf32, #tpu.memory_space<vmem>>, vector<1x1x5120xf32>
    %get3A_18 = vector.shape_cast %get3A_17 : vector<1x1x5120xf32> to vector<5120xf32>
    %add3A_19 = arith.addf %get3A_13, %get3A_18 : vector<5120xf32>
    %max3A = arith.constant 1.000000e+00 : f32
    %max3A_20 = vector.broadcast %max3A : f32 to vector<5120xf32>
    %max3A_21 = arith.maximumf %add3A_19, %max3A_20 : vector<5120xf32>
    %broadcast_in_dim3A = vector.shape_cast %max3A_21 : vector<5120xf32> to vector<5120x1xf32>
    %div3A = vector.broadcast %broadcast_in_dim3A : vector<5120x1xf32> to vector<5120x128xf32>
    %div3A_22 = arith.divf %add3A, %div3A : vector<5120x128xf32>
    %get3A_23 = arith.constant 0 : index
    %get3A_24 = arith.constant 0 : index
    %get3A_25 = vector.load %arg2[%get3A_23, %get3A_24] : memref<128x1xf32, #tpu.memory_space<vmem>>, vector<128x1xf32>
    %dot_general3A = arith.constant dense<0.000000e+00> : vector<5120x1xf32>
    %dot_general3A_26 = tpu.matmul %div3A_22, %get3A_25, %dot_general3A {dimension_numbers = #tpu.dot_dimension_numbers<[1], [0], [0], [1], [0, 0, 1, 1], [], []>, transpose_lhs_hint = false} : vector<5120x128xf32>, vector<128x1xf32>, vector<5120x1xf32> -> vector<5120x1xf32>
    %ge3A = arith.constant 0.000000e+00 : f32
    %ge3A_27 = vector.broadcast %ge3A : f32 to vector<5120x1xf32>
    %ge3A_28 = arith.cmpf oge, %dot_general3A_26, %ge3A_27 : vector<5120x1xf32>
    %mul3A = arith.constant 2.000000e-01 : f32
    %mul3A_29 = vector.broadcast %mul3A : f32 to vector<5120x1xf32>
    %mul3A_30 = arith.mulf %mul3A_29, %dot_general3A_26 : vector<5120x1xf32>
    %select_n3A = arith.select %ge3A_28, %dot_general3A_26, %mul3A_30 : vector<5120x1xi1>, vector<5120x1xf32>
    %mul3A_31 = arith.constant 5.000000e+00 : f32
    %mul3A_32 = vector.broadcast %mul3A_31 : f32 to vector<5120x1xf32>
    %mul3A_33 = arith.mulf %select_n3A, %mul3A_32 : vector<5120x1xf32>
    %reduce_max3A = vector.shape_cast %mul3A_33 : vector<5120x1xf32> to vector<1x5120x1xf32>
    %reduce_max3A_34 = arith.constant dense<0xFF800000> : vector<1xf32>
    %reduce_max3A_35 = vector.multi_reduction <maximumf>, %reduce_max3A, %reduce_max3A_34 [1, 2] : vector<1x5120x1xf32> to vector<1xf32>
    %reduce_max3A_36 = vector.shape_cast %reduce_max3A_35 : vector<1xf32> to vector<1x1x1xf32>
    %reduce_max3A_37 = vector.extract %reduce_max3A_36[0, 0, 0] : f32 from vector<1x1x1xf32>
    %sub3A = vector.broadcast %reduce_max3A_37 : f32 to vector<5120x1xf32>
    %sub3A_38 = arith.subf %mul3A_33, %sub3A : vector<5120x1xf32>
    %exp3A = math.exp %sub3A_38 : vector<5120x1xf32>
    %swap3A = arith.constant 0 : index
    %swap3A_39 = arith.constant 0 : index
    %swap3A_40 = vector.load %arg4[%swap3A, %swap3A_39] : memref<5120x1xf32, #tpu.memory_space<vmem>>, vector<5120x1xf32>
    tpu.vector_store %arg4[%swap3A, %swap3A_39], %exp3A {strides = array<i32>} : memref<5120x1xf32, #tpu.memory_space<vmem>>, vector<5120x1xf32>,
    %mul3A_41 = vector.broadcast %exp3A : vector<5120x1xf32> to vector<5120x128xf32>
    %mul3A_42 = arith.mulf %div3A_22, %mul3A_41 : vector<5120x128xf32>
    %swap3A_43 = arith.constant 0 : index
    %swap3A_44 = arith.constant 0 : index
    %swap3A_45 = vector.load %arg3[%swap3A_43, %swap3A_44] : memref<5120x128xf32, #tpu.memory_space<vmem>>, vector<5120x128xf32>
    tpu.vector_store %arg3[%swap3A_43, %swap3A_44], %mul3A_42 {strides = array<i32>} : memref<5120x128xf32, #tpu.memory_space<vmem>>, vector<5120x128xf32>,
    return
  }
}

module attributes {stable_mosaic.version = 14 : i64} {
  func.func @_proj_body(%arg0: i32, %arg1: memref<1x1xi32, #tpu.memory_space<smem>>, %arg2: memref<1000x128xf32, #tpu.memory_space<vmem>>, %arg3: memref<128x128xf32, #tpu.memory_space<vmem>>, %arg4: memref<1x128xf32, #tpu.memory_space<vmem>>, %arg5: memref<1x128xf32, #tpu.memory_space<vmem>>, %arg6: memref<1x128xf32, #tpu.memory_space<vmem>>, %arg7: memref<128x128xf32, #tpu.memory_space<vmem>>, %arg8: memref<1x128xf32, #tpu.memory_space<vmem>>, %arg9: memref<1x128xf32, #tpu.memory_space<vmem>>, %arg10: memref<1x128xf32, #tpu.memory_space<vmem>>, %arg11: memref<128x128xf32, #tpu.memory_space<vmem>>, %arg12: memref<1x128xf32, #tpu.memory_space<vmem>>, %arg13: memref<1000x128xf32, #tpu.memory_space<vmem>>) attributes {dimension_semantics = [#tpu.dimension_semantics<arbitrary>], iteration_bounds = array<i64: 10>, scalar_prefetch = 0 : i64, scratch_operands = 0 : i64, tpu.core_type = #tpu.core_type<tc>, window_params = [{transform_indices = @transform_0, window_bounds = array<i64: 1, 1>}, {transform_indices = @transform_1, window_bounds = array<i64: 1000, 128>}, {pipeline_mode = #tpu.pipeline_mode<synchronous>, transform_indices = @transform_2, window_bounds = array<i64: 128, 128>}, {pipeline_mode = #tpu.pipeline_mode<synchronous>, transform_indices = @transform_3, window_bounds = array<i64: 1, 128>}, {pipeline_mode = #tpu.pipeline_mode<synchronous>, transform_indices = @transform_4, window_bounds = array<i64: 1, 128>}, {pipeline_mode = #tpu.pipeline_mode<synchronous>, transform_indices = @transform_5, window_bounds = array<i64: 1, 128>}, {pipeline_mode = #tpu.pipeline_mode<synchronous>, transform_indices = @transform_6, window_bounds = array<i64: 128, 128>}, {pipeline_mode = #tpu.pipeline_mode<synchronous>, transform_indices = @transform_7, window_bounds = array<i64: 1, 128>}, {pipeline_mode = #tpu.pipeline_mode<synchronous>, transform_indices = @transform_8, window_bounds = array<i64: 1, 128>}, {pipeline_mode = #tpu.pipeline_mode<synchronous>, transform_indices = @transform_9, window_bounds = array<i64: 1, 128>}, {pipeline_mode = #tpu.pipeline_mode<synchronous>, transform_indices = @transform_10, window_bounds = array<i64: 128, 128>}, {pipeline_mode = #tpu.pipeline_mode<synchronous>, transform_indices = @transform_11, window_bounds = array<i64: 1, 128>}, {transform_indices = @transform_12, window_bounds = array<i64: 1000, 128>}]} {
    %get3A = arith.constant 0 : index
    %get3A_0 = arith.constant 0 : index
    %get3A_1 = vector.load %arg2[%get3A, %get3A_0] : memref<1000x128xf32, #tpu.memory_space<vmem>>, vector<1000x128xf32>
    %get3A_2 = arith.constant 0 : index
    %get3A_3 = arith.constant 0 : index
    %get3A_4 = vector.load %arg3[%get3A_2, %get3A_3] : memref<128x128xf32, #tpu.memory_space<vmem>>, vector<128x128xf32>
    %dot_general3A = arith.constant dense<0.000000e+00> : vector<1000x128xf32>
    %dot_general3A_5 = tpu.matmul %get3A_1, %get3A_4, %dot_general3A {dimension_numbers = #tpu.dot_dimension_numbers<[1], [0], [0], [1], [0, 0, 1, 1], [], []>, transpose_lhs_hint = false} : vector<1000x128xf32>, vector<128x128xf32>, vector<1000x128xf32> -> vector<1000x128xf32>
    %get3A_6 = arith.constant 0 : index
    %get3A_7 = arith.constant 0 : index
    %get3A_8 = vector.load %arg4[%get3A_6, %get3A_7] : memref<1x128xf32, #tpu.memory_space<vmem>>, vector<1x128xf32>
    %add3A = vector.broadcast %get3A_8 : vector<1x128xf32> to vector<1000x128xf32>
    %add3A_9 = arith.addf %dot_general3A_5, %add3A : vector<1000x128xf32>
    %ge3A = arith.constant 0.000000e+00 : f32
    %ge3A_10 = vector.broadcast %ge3A : f32 to vector<1000x128xf32>
    %ge3A_11 = arith.cmpf oge, %add3A_9, %ge3A_10 : vector<1000x128xf32>
    %mul3A = arith.constant 2.000000e-01 : f32
    %mul3A_12 = vector.broadcast %mul3A : f32 to vector<1000x128xf32>
    %mul3A_13 = arith.mulf %mul3A_12, %add3A_9 : vector<1000x128xf32>
    %select_n3A = arith.select %ge3A_11, %add3A_9, %mul3A_13 : vector<1000x128xi1>, vector<1000x128xf32>
    %get3A_14 = arith.constant 0 : index
    %get3A_15 = arith.constant 0 : index
    %get3A_16 = vector.load %arg7[%get3A_14, %get3A_15] : memref<128x128xf32, #tpu.memory_space<vmem>>, vector<128x128xf32>
    %dot_general3A_17 = arith.constant dense<0.000000e+00> : vector<1000x128xf32>
    %dot_general3A_18 = tpu.matmul %get3A_1, %get3A_16, %dot_general3A_17 {dimension_numbers = #tpu.dot_dimension_numbers<[1], [0], [0], [1], [0, 0, 1, 1], [], []>, transpose_lhs_hint = false} : vector<1000x128xf32>, vector<128x128xf32>, vector<1000x128xf32> -> vector<1000x128xf32>
    %get3A_19 = arith.constant 0 : index
    %get3A_20 = arith.constant 0 : index
    %get3A_21 = vector.load %arg8[%get3A_19, %get3A_20] : memref<1x128xf32, #tpu.memory_space<vmem>>, vector<1x128xf32>
    %add3A_22 = vector.broadcast %get3A_21 : vector<1x128xf32> to vector<1000x128xf32>
    %add3A_23 = arith.addf %dot_general3A_18, %add3A_22 : vector<1000x128xf32>
    %ge3A_24 = arith.constant 0.000000e+00 : f32
    %ge3A_25 = vector.broadcast %ge3A_24 : f32 to vector<1000x128xf32>
    %ge3A_26 = arith.cmpf oge, %add3A_23, %ge3A_25 : vector<1000x128xf32>
    %mul3A_27 = arith.constant 2.000000e-01 : f32
    %mul3A_28 = vector.broadcast %mul3A_27 : f32 to vector<1000x128xf32>
    %mul3A_29 = arith.mulf %mul3A_28, %add3A_23 : vector<1000x128xf32>
    %select_n3A_30 = arith.select %ge3A_26, %add3A_23, %mul3A_29 : vector<1000x128xi1>, vector<1000x128xf32>
    %get3A_31 = arith.constant 0 : index
    %get3A_32 = arith.constant 0 : index
    %get3A_33 = vector.load %arg5[%get3A_31, %get3A_32] : memref<1x128xf32, #tpu.memory_space<vmem>>, vector<1x128xf32>
    %get3A_34 = arith.constant 0 : index
    %get3A_35 = arith.constant 0 : index
    %get3A_36 = vector.load %arg6[%get3A_34, %get3A_35] : memref<1x128xf32, #tpu.memory_space<vmem>>, vector<1x128xf32>
    %reduce_sum3A = arith.constant dense<0.000000e+00> : vector<1000xf32>
    %reduce_sum3A_37 = vector.multi_reduction <add>, %select_n3A, %reduce_sum3A [1] : vector<1000x128xf32> to vector<1000xf32>
    %broadcast_in_dim3A = vector.shape_cast %reduce_sum3A_37 : vector<1000xf32> to vector<1000x1xf32>
    %div3A = arith.constant 1.280000e+02 : f32
    %div3A_38 = vector.broadcast %div3A : f32 to vector<1000x1xf32>
    %div3A_39 = arith.divf %broadcast_in_dim3A, %div3A_38 : vector<1000x1xf32>
    %sub3A = vector.broadcast %div3A_39 : vector<1000x1xf32> to vector<1000x128xf32>
    %sub3A_40 = arith.subf %select_n3A, %sub3A : vector<1000x128xf32>
    %integer_pow3A = arith.mulf %sub3A_40, %sub3A_40 : vector<1000x128xf32>
    %reduce_sum3A_41 = arith.constant dense<0.000000e+00> : vector<1000xf32>
    %reduce_sum3A_42 = vector.multi_reduction <add>, %integer_pow3A, %reduce_sum3A_41 [1] : vector<1000x128xf32> to vector<1000xf32>
    %broadcast_in_dim3A_43 = vector.shape_cast %reduce_sum3A_42 : vector<1000xf32> to vector<1000x1xf32>
    %div3A_44 = arith.constant 1.280000e+02 : f32
    %div3A_45 = vector.broadcast %div3A_44 : f32 to vector<1000x1xf32>
    %div3A_46 = arith.divf %broadcast_in_dim3A_43, %div3A_45 : vector<1000x1xf32>
    %sub3A_47 = vector.broadcast %div3A_39 : vector<1000x1xf32> to vector<1000x128xf32>
    %sub3A_48 = arith.subf %select_n3A, %sub3A_47 : vector<1000x128xf32>
    %add3A_49 = arith.constant 9.99999974E-6 : f32
    %add3A_50 = vector.broadcast %add3A_49 : f32 to vector<1000x1xf32>
    %add3A_51 = arith.addf %div3A_46, %add3A_50 : vector<1000x1xf32>
    %sqrt3A = math.sqrt %add3A_51 : vector<1000x1xf32>
    %div3A_52 = vector.broadcast %sqrt3A : vector<1000x1xf32> to vector<1000x128xf32>
    %div3A_53 = arith.divf %sub3A_48, %div3A_52 : vector<1000x128xf32>
    %mul3A_54 = vector.broadcast %get3A_33 : vector<1x128xf32> to vector<1000x128xf32>
    %mul3A_55 = arith.mulf %div3A_53, %mul3A_54 : vector<1000x128xf32>
    %add3A_56 = vector.broadcast %get3A_36 : vector<1x128xf32> to vector<1000x128xf32>
    %add3A_57 = arith.addf %mul3A_55, %add3A_56 : vector<1000x128xf32>
    %get3A_58 = arith.constant 0 : index
    %get3A_59 = arith.constant 0 : index
    %get3A_60 = vector.load %arg9[%get3A_58, %get3A_59] : memref<1x128xf32, #tpu.memory_space<vmem>>, vector<1x128xf32>
    %get3A_61 = arith.constant 0 : index
    %get3A_62 = arith.constant 0 : index
    %get3A_63 = vector.load %arg10[%get3A_61, %get3A_62] : memref<1x128xf32, #tpu.memory_space<vmem>>, vector<1x128xf32>
    %reduce_sum3A_64 = arith.constant dense<0.000000e+00> : vector<1000xf32>
    %reduce_sum3A_65 = vector.multi_reduction <add>, %select_n3A_30, %reduce_sum3A_64 [1] : vector<1000x128xf32> to vector<1000xf32>
    %broadcast_in_dim3A_66 = vector.shape_cast %reduce_sum3A_65 : vector<1000xf32> to vector<1000x1xf32>
    %div3A_67 = arith.constant 1.280000e+02 : f32
    %div3A_68 = vector.broadcast %div3A_67 : f32 to vector<1000x1xf32>
    %div3A_69 = arith.divf %broadcast_in_dim3A_66, %div3A_68 : vector<1000x1xf32>
    %sub3A_70 = vector.broadcast %div3A_69 : vector<1000x1xf32> to vector<1000x128xf32>
    %sub3A_71 = arith.subf %select_n3A_30, %sub3A_70 : vector<1000x128xf32>
    %integer_pow3A_72 = arith.mulf %sub3A_71, %sub3A_71 : vector<1000x128xf32>
    %reduce_sum3A_73 = arith.constant dense<0.000000e+00> : vector<1000xf32>
    %reduce_sum3A_74 = vector.multi_reduction <add>, %integer_pow3A_72, %reduce_sum3A_73 [1] : vector<1000x128xf32> to vector<1000xf32>
    %broadcast_in_dim3A_75 = vector.shape_cast %reduce_sum3A_74 : vector<1000xf32> to vector<1000x1xf32>
    %div3A_76 = arith.constant 1.280000e+02 : f32
    %div3A_77 = vector.broadcast %div3A_76 : f32 to vector<1000x1xf32>
    %div3A_78 = arith.divf %broadcast_in_dim3A_75, %div3A_77 : vector<1000x1xf32>
    %sub3A_79 = vector.broadcast %div3A_69 : vector<1000x1xf32> to vector<1000x128xf32>
    %sub3A_80 = arith.subf %select_n3A_30, %sub3A_79 : vector<1000x128xf32>
    %add3A_81 = arith.constant 9.99999974E-6 : f32
    %add3A_82 = vector.broadcast %add3A_81 : f32 to vector<1000x1xf32>
    %add3A_83 = arith.addf %div3A_78, %add3A_82 : vector<1000x1xf32>
    %sqrt3A_84 = math.sqrt %add3A_83 : vector<1000x1xf32>
    %div3A_85 = vector.broadcast %sqrt3A_84 : vector<1000x1xf32> to vector<1000x128xf32>
    %div3A_86 = arith.divf %sub3A_80, %div3A_85 : vector<1000x128xf32>
    %mul3A_87 = vector.broadcast %get3A_60 : vector<1x128xf32> to vector<1000x128xf32>
    %mul3A_88 = arith.mulf %div3A_86, %mul3A_87 : vector<1000x128xf32>
    %add3A_89 = vector.broadcast %get3A_63 : vector<1x128xf32> to vector<1000x128xf32>
    %add3A_90 = arith.addf %mul3A_88, %add3A_89 : vector<1000x128xf32>
    %mul3A_91 = arith.constant 1000 : i32
    %mul3A_92 = arith.muli %arg0, %mul3A_91 : i32
    %iota3A = tpu.iota {dimensions = array<i32: 0>} : vector<1000x1xi32>
    %add3A_93 = vector.broadcast %mul3A_92 : i32 to vector<1000x1xi32>
    %add3A_94 = arith.addi %add3A_93, %iota3A : vector<1000x1xi32>
    %get3A_95 = arith.constant 0 : index
    %get3A_96 = arith.constant 0 : index
    %get3A_97 = memref.load %arg1[%get3A_95, %get3A_96] : memref<1x1xi32, #tpu.memory_space<smem>>
    %lt3A = vector.broadcast %get3A_97 : i32 to vector<1000x1xi32>
    %lt3A_98 = arith.cmpi slt, %add3A_94, %lt3A : vector<1000x1xi32>
    %broadcast_in_dim3A_99 = vector.shape_cast %lt3A_98 : vector<1000x1xi1> to vector<1000x1xi1>
    %broadcast_in_dim3A_100 = vector.broadcast %broadcast_in_dim3A_99 : vector<1000x1xi1> to vector<1000x128xi1>
    %select_n3A_101 = arith.select %broadcast_in_dim3A_100, %add3A_57, %add3A_90 : vector<1000x128xi1>, vector<1000x128xf32>
    %get3A_102 = arith.constant 0 : index
    %get3A_103 = arith.constant 0 : index
    %get3A_104 = vector.load %arg11[%get3A_102, %get3A_103] : memref<128x128xf32, #tpu.memory_space<vmem>>, vector<128x128xf32>
    %dot_general3A_105 = arith.constant dense<0.000000e+00> : vector<1000x128xf32>
    %dot_general3A_106 = tpu.matmul %select_n3A_101, %get3A_104, %dot_general3A_105 {dimension_numbers = #tpu.dot_dimension_numbers<[1], [0], [0], [1], [0, 0, 1, 1], [], []>, transpose_lhs_hint = false} : vector<1000x128xf32>, vector<128x128xf32>, vector<1000x128xf32> -> vector<1000x128xf32>
    %get3A_107 = arith.constant 0 : index
    %get3A_108 = arith.constant 0 : index
    %get3A_109 = vector.load %arg12[%get3A_107, %get3A_108] : memref<1x128xf32, #tpu.memory_space<vmem>>, vector<1x128xf32>
    %add3A_110 = vector.broadcast %get3A_109 : vector<1x128xf32> to vector<1000x128xf32>
    %add3A_111 = arith.addf %dot_general3A_106, %add3A_110 : vector<1000x128xf32>
    %swap3A = arith.constant 0 : index
    %swap3A_112 = arith.constant 0 : index
    %swap3A_113 = vector.load %arg13[%swap3A, %swap3A_112] : memref<1000x128xf32, #tpu.memory_space<vmem>>, vector<1000x128xf32>
    tpu.vector_store %arg13[%swap3A, %swap3A_112], %add3A_111 {strides = array<i32>} : memref<1000x128xf32, #tpu.memory_space<vmem>>, vector<1000x128xf32>,
    return
  }
  func.func @transform_0(%arg0: i32) -> (i32, i32) {
    %c0_i32 = arith.constant 0 : i32
    %c0_i32_0 = arith.constant 0 : i32
    %c0_i32_1 = arith.constant 0 : i32
    return %c0_i32, %c0_i32_0 : i32, i32
  }
  func.func @transform_1(%arg0: i32) -> (i32, i32) {
    %c0_i32 = arith.constant 0 : i32
    %c0_i32_0 = arith.constant 0 : i32
    return %arg0, %c0_i32 : i32, i32
  }
  func.func @transform_2(%arg0: i32) -> (i32, i32) {
    %c0_i32 = arith.constant 0 : i32
    %c0_i32_0 = arith.constant 0 : i32
    %c0_i32_1 = arith.constant 0 : i32
    return %c0_i32, %c0_i32_0 : i32, i32
  }
  func.func @transform_3(%arg0: i32) -> (i32, i32) {
    %c0_i32 = arith.constant 0 : i32
    %c0_i32_0 = arith.constant 0 : i32
    %c0_i32_1 = arith.constant 0 : i32
    return %c0_i32, %c0_i32_0 : i32, i32
  }
  func.func @transform_4(%arg0: i32) -> (i32, i32) {
    %c0_i32 = arith.constant 0 : i32
    %c0_i32_0 = arith.constant 0 : i32
    %c0_i32_1 = arith.constant 0 : i32
    return %c0_i32, %c0_i32_0 : i32, i32
  }
  func.func @transform_5(%arg0: i32) -> (i32, i32) {
    %c0_i32 = arith.constant 0 : i32
    %c0_i32_0 = arith.constant 0 : i32
    %c0_i32_1 = arith.constant 0 : i32
    return %c0_i32, %c0_i32_0 : i32, i32
  }
  func.func @transform_6(%arg0: i32) -> (i32, i32) {
    %c0_i32 = arith.constant 0 : i32
    %c0_i32_0 = arith.constant 0 : i32
    %c0_i32_1 = arith.constant 0 : i32
    return %c0_i32, %c0_i32_0 : i32, i32
  }
  func.func @transform_7(%arg0: i32) -> (i32, i32) {
    %c0_i32 = arith.constant 0 : i32
    %c0_i32_0 = arith.constant 0 : i32
    %c0_i32_1 = arith.constant 0 : i32
    return %c0_i32, %c0_i32_0 : i32, i32
  }
  func.func @transform_8(%arg0: i32) -> (i32, i32) {
    %c0_i32 = arith.constant 0 : i32
    %c0_i32_0 = arith.constant 0 : i32
    %c0_i32_1 = arith.constant 0 : i32
    return %c0_i32, %c0_i32_0 : i32, i32
  }
  func.func @transform_9(%arg0: i32) -> (i32, i32) {
    %c0_i32 = arith.constant 0 : i32
    %c0_i32_0 = arith.constant 0 : i32
    %c0_i32_1 = arith.constant 0 : i32
    return %c0_i32, %c0_i32_0 : i32, i32
  }
  func.func @transform_10(%arg0: i32) -> (i32, i32) {
    %c0_i32 = arith.constant 0 : i32
    %c0_i32_0 = arith.constant 0 : i32
    %c0_i32_1 = arith.constant 0 : i32
    return %c0_i32, %c0_i32_0 : i32, i32
  }
  func.func @transform_11(%arg0: i32) -> (i32, i32) {
    %c0_i32 = arith.constant 0 : i32
    %c0_i32_0 = arith.constant 0 : i32
    %c0_i32_1 = arith.constant 0 : i32
    return %c0_i32, %c0_i32_0 : i32, i32
  }
  func.func @transform_12(%arg0: i32) -> (i32, i32) {
    %c0_i32 = arith.constant 0 : i32
    %c0_i32_0 = arith.constant 0 : i32
    return %arg0, %c0_i32 : i32, i32
  }
}

module attributes {stable_mosaic.version = 14 : i64} {
  func.func @_out_body(%arg0: memref<2x10112x128xf32, #tpu.memory_space<vmem>>, %arg1: memref<2x8x10112xf32, #tpu.memory_space<vmem>>, %arg2: memref<10112x128xf32, #tpu.memory_space<vmem>>) attributes {dimension_semantics = [], scalar_prefetch = 0 : i64, scratch_operands = 0 : i64, tpu.core_type = #tpu.core_type<tc>} {
    %get3A = arith.constant 0 : index
    %get3A_0 = arith.constant 0 : index
    %get3A_1 = arith.constant 0 : index
    %get3A_2 = vector.load %arg0[%get3A, %get3A_0, %get3A_1] : memref<2x10112x128xf32, #tpu.memory_space<vmem>>, vector<1x10112x128xf32>
    %get3A_3 = vector.shape_cast %get3A_2 : vector<1x10112x128xf32> to vector<10112x128xf32>
    %get3A_4 = arith.constant 1 : index
    %get3A_5 = arith.constant 0 : index
    %get3A_6 = arith.constant 0 : index
    %get3A_7 = vector.load %arg0[%get3A_4, %get3A_5, %get3A_6] : memref<2x10112x128xf32, #tpu.memory_space<vmem>>, vector<1x10112x128xf32>
    %get3A_8 = vector.shape_cast %get3A_7 : vector<1x10112x128xf32> to vector<10112x128xf32>
    %add3A = arith.addf %get3A_3, %get3A_8 : vector<10112x128xf32>
    %get3A_9 = arith.constant 0 : index
    %get3A_10 = arith.constant 0 : index
    %get3A_11 = arith.constant 0 : index
    %get3A_12 = vector.load %arg1[%get3A_9, %get3A_10, %get3A_11] : memref<2x8x10112xf32, #tpu.memory_space<vmem>>, vector<1x1x10112xf32>
    %get3A_13 = vector.shape_cast %get3A_12 : vector<1x1x10112xf32> to vector<10112xf32>
    %get3A_14 = arith.constant 1 : index
    %get3A_15 = arith.constant 0 : index
    %get3A_16 = arith.constant 0 : index
    %get3A_17 = vector.load %arg1[%get3A_14, %get3A_15, %get3A_16] : memref<2x8x10112xf32, #tpu.memory_space<vmem>>, vector<1x1x10112xf32>
    %get3A_18 = vector.shape_cast %get3A_17 : vector<1x1x10112xf32> to vector<10112xf32>
    %add3A_19 = arith.addf %get3A_13, %get3A_18 : vector<10112xf32>
    %broadcast_in_dim3A = vector.shape_cast %add3A_19 : vector<10112xf32> to vector<10112x1xf32>
    %gt3A = arith.constant 0.000000e+00 : f32
    %gt3A_20 = vector.broadcast %gt3A : f32 to vector<10112x1xf32>
    %gt3A_21 = arith.cmpf ogt, %broadcast_in_dim3A, %gt3A_20 : vector<10112x1xf32>
    %jit3A = arith.constant 1.000000e+00 : f32
    %broadcast_in_dim3A_22 = vector.broadcast %jit3A : f32 to vector<10112x1xf32>
    %select_n3A = arith.select %gt3A_21, %broadcast_in_dim3A, %broadcast_in_dim3A_22 : vector<10112x1xi1>, vector<10112x1xf32>
    %div3A = vector.broadcast %select_n3A : vector<10112x1xf32> to vector<10112x128xf32>
    %div3A_23 = arith.divf %add3A, %div3A : vector<10112x128xf32>
    %jit3A_24 = arith.constant 0.000000e+00 : f32
    %broadcast_in_dim3A_25 = vector.shape_cast %gt3A_21 : vector<10112x1xi1> to vector<10112x1xi1>
    %broadcast_in_dim3A_26 = vector.broadcast %broadcast_in_dim3A_25 : vector<10112x1xi1> to vector<10112x128xi1>
    %broadcast_in_dim3A_27 = vector.broadcast %jit3A_24 : f32 to vector<10112x128xf32>
    %select_n3A_28 = arith.select %broadcast_in_dim3A_26, %div3A_23, %broadcast_in_dim3A_27 : vector<10112x128xi1>, vector<10112x128xf32>
    %gt3A_29 = arith.constant 0.000000e+00 : f32
    %gt3A_30 = vector.broadcast %gt3A_29 : f32 to vector<10112x128xf32>
    %gt3A_31 = arith.cmpf ogt, %select_n3A_28, %gt3A_30 : vector<10112x128xf32>
    %min3A = arith.constant 0.000000e+00 : f32
    %min3A_32 = vector.broadcast %min3A : f32 to vector<10112x128xf32>
    %min3A_33 = arith.minimumf %select_n3A_28, %min3A_32 : vector<10112x128xf32>
    %exp3A = math.exp %min3A_33 : vector<10112x128xf32>
    %sub3A = arith.constant 1.000000e+00 : f32
    %sub3A_34 = vector.broadcast %sub3A : f32 to vector<10112x128xf32>
    %sub3A_35 = arith.subf %exp3A, %sub3A_34 : vector<10112x128xf32>
    %select_n3A_36 = arith.select %gt3A_31, %select_n3A_28, %sub3A_35 : vector<10112x128xi1>, vector<10112x128xf32>
    %swap3A = arith.constant 0 : index
    %swap3A_37 = arith.constant 0 : index
    %swap3A_38 = vector.load %arg2[%swap3A, %swap3A_37] : memref<10112x128xf32, #tpu.memory_space<vmem>>, vector<10112x128xf32>
    tpu.vector_store %arg2[%swap3A, %swap3A_37], %select_n3A_36 {strides = array<i32>} : memref<10112x128xf32, #tpu.memory_space<vmem>>, vector<10112x128xf32>,
    return
  }
}

</mosaic_0001>

<sc_bundles>
// kernel: kernel.10.cloned.1.call-start
scs
__scs_entry_jumppad:
0x0: {  	(pc) =	sbr.rel $0x88, $3  }
0x1: {  	(tag) =	ssettag $0x0;
	lr =	simm.s32 $0x1  }
0x2: {  	[smem:$0x3F92] =	sst lr;
	_ =	strace $0xD0000000  }
0x3: {  	_ = 	snop  }
0x4: {  	_ = 	snop  }
0x5: {  	_ = 	snop  }
0x6: {  	_ = 	snop  }
0x7: {  	_ = 	snop  }
__scs_overlays_trampoline_lowered:
0x8: {  	[smem:$0x3FA1] =	sst s0  }
0x9: {  	[smem:$0x3FA2] =	sst s1  }
0xa: {  	[smem:$0x3FA3] =	sst s2  }
0xb: {  	[smem:$0x3FA4] =	sst s3  }
0xc: {  	[smem:$0x3FA5] =	sst s4  }
0xd: {  	[smem:$0x3FA6] =	sst s5  }
0xe: {  	[smem:$0x3FA7] =	sst s6  }
0xf: {  	[smem:$0x3FA8] =	sst s7  }
0x10: {  	[smem:$0x3FA9] =	sst s8  }
0x11: {  	[smem:$0x3FAA] =	sst s9;
	s0 =	simm.s32 @!p0 $0x0  }
0x12: {  	s1 =	sld [smem:$0x3F90];
	s0 =	simm.s32 @p0 $0x1  }
0x13: {  	[smem:$0x3FAB] =	sst s0;
	s0 =	simm.s32 @!p1 $0x0  }
0x14: {  	s2 =	sld [smem:$0x3F8F];
	s0 =	simm.s32 @p1 $0x1  }
0x15: {  	[smem:$0x3FAC] =	sst s0;
	s0 =	simm.s32 @!p2 $0x0  }
0x16: {  	s3 =	sld [smem:$0x3FDB];
	s0 =	simm.s32 @p2 $0x1  }
0x17: {  	s4 =	simm.s32 $0x1BF5;
	[smem:$0x3FAE] =	sst s0  }
0x18: {  	s0 =	sld [smem:$0x3F91];
	_ =	swait.ge [sflag:s4], $0x0  }
0x19: {  	s7 =	sld [smem:$0x3F92]  }
0x1a: {  	s8 =	sadd.s32 $0xFFFFE003, lr  }
0x1b: {  	s9 =	sadd.s32 $0xFFFFFEF7, lr;
	s5 =	simm.s32 $0xFFFFFFFF;
	p2 =	slt.u32 s8, $0xFFFFF086  }
0x1c: {  	p1 =	slt.u32 s9, $0xF7A;
	s5 =	simm.s32 @!p2 $0x0  }
0x1d: {  	s5 =	simm.s32 @p1 $0x1;
	p0 =	seq.s32 s7, s2  }
0x1e: {  	s7 =	smul.u32 @!p0 $0xF7A, s2;
	p2 =	seq.s32 @!p0 s5, $0x0  }
0x1f: {  	s9 =	smul.u32 $0xF7A, s1;
	s8 =	simm.s32 @!p0 $0x1BF5;
	p2 =	por !p2, p0  }
0x20: {  	[sflag:s8] =	ssyncset.s32 @!p0 $0xFFFFF086;
	s6 =	sadd.s32 @!p0 s3, s7;
	s7 =	simm.s32 @!p0 $0x108  }
0x21: {  	s3 =	sadd.s32 s3, s9;
	s6 =	sadd.s32 @!p0 $0x88, s6;
	s7 =	simm.s32 @p2 $0x1082  }
0x22: {  	[simem:s7], [sflag:s8] =	dma.local @!p0 [hbm:s6], $0xF7A  }
0x23: {  	s9 =	sor.u32 $0xD0000000, s2;
	s6 =	simm.s32 $0x108;
	_ =	swait.ge @!p0 [sflag:s8], $0x0  }
0x24: {  	s3 =	sadd.s32 $0x88, s3;
	s6 =	simm.s32 @!p1 $0x1082;
	[sflag:s4] =	ssyncset.s32 $0xFFFFF086  }
0x25: {  	[simem:s6], [sflag:s4] =	dma.local [hbm:s3], $0xF7A  }
0x26: {  	[smem:$0x3F92] =	sst s1;
	(tag) =	ssettag s2;
	_ =	strace s9  }
0x27: {  	s1 =	sld [smem:$0x3FA2]  }
0x28: {  	s2 =	sld [smem:$0x3FA3]  }
0x29: {  	s4 =	sld [smem:$0x3FA5]  }
0x2a: {  	p0 =	seq.s32 s5, $0x0;
	s5 =	sld [smem:$0x3FA6]  }
0x2b: {  	s6 =	sld [smem:$0x3FA7]  }
0x2c: {  	s7 =	sld [smem:$0x3FA8]  }
0x2d: {  	s3 =	simm.s32 $0x108;
	s8 =	sld [smem:$0x3FA9]  }
0x2e: {  	s3 =	simm.s32 @!p0 $0x1082;
	s9 =	sld [smem:$0x3FAA]  }
0x2f: {  	lr =	sadd.s32 s0, s3;
	s0 =	sld [smem:$0x3FA1]  }
0x30: {  	s3 =	sld [smem:$0x3FA4]  }
0x31: {  	[smem:$0x3FAD] =	sst s10  }
0x32: {  	s10 =	sld [smem:$0x3FAB];
	_ =	sdelay $0x3  }
0x33: {  	p0 =	seq.s32 s10, $0x1;
	s10 =	sld [smem:$0x3FAD];
	_ =	sdelay $0x3  }
0x34: {  	[smem:$0x3FAD] =	sst s10  }
0x35: {  	s10 =	sld [smem:$0x3FAC];
	_ =	sdelay $0x3  }
0x36: {  	p1 =	seq.s32 s10, $0x1;
	s10 =	sld [smem:$0x3FAD];
	_ =	sdelay $0x3  }
0x37: {  	[smem:$0x3FAD] =	sst s10  }
0x38: {  	s10 =	sld [smem:$0x3FAE]  }
0x39: {  	_ = 	snop;
	(pc) =	sbr.ind lr, $3  }
0x3a: {  	_ = 	snop  }
0x3b: {  	_ = 	snop  }
0x3c: {  	p2 =	seq.s32 s10, $0x1;
	s10 =	sld [smem:$0x3FAD]  }
0x3d: {  	_ =	shalt  }
0x3e: {  	_ =	shalt  }
0x3f: {  	_ =	shalt  }
0x40: {  	_ =	shalt  }
0x41: {  	_ =	shalt  }
0x42: {  	_ =	shalt  }
0x43: {  	_ =	shalt  }
0x44: {  	_ =	shalt  }
0x45: {  	_ =	shalt  }
0x46: {  	_ =	shalt  }
0x47: {  	_ =	shalt  }
0x48: {  	_ =	shalt  }
0x49: {  	_ =	shalt  }
0x4a: {  	_ =	shalt  }
0x4b: {  	_ =	shalt  }
0x4c: {  	_ =	shalt  }
0x4d: {  	_ =	shalt  }
0x4e: {  	_ =	shalt  }
0x4f: {  	_ =	shalt  }
0x50: {  	_ =	shalt  }
0x51: {  	_ =	shalt  }
0x52: {  	_ =	shalt  }
0x53: {  	_ =	shalt  }
0x54: {  	_ =	shalt  }
0x55: {  	_ =	shalt  }
0x56: {  	_ =	shalt  }
0x57: {  	_ =	shalt  }
0x58: {  	_ =	shalt  }
0x59: {  	_ =	shalt  }
0x5a: {  	_ =	shalt  }
0x5b: {  	_ =	shalt  }
0x5c: {  	_ =	shalt  }
0x5d: {  	_ =	shalt  }
0x5e: {  	_ =	shalt  }
0x5f: {  	_ =	shalt  }
0x60: {  	_ =	shalt  }
0x61: {  	_ =	shalt  }
0x62: {  	_ =	shalt  }
0x63: {  	_ =	shalt  }
0x64: {  	_ =	shalt  }
0x65: {  	_ =	shalt  }
0x66: {  	_ =	shalt  }
0x67: {  	_ =	shalt  }
0x68: {  	_ =	shalt  }
0x69: {  	_ =	shalt  }
0x6a: {  	_ =	shalt  }
0x6b: {  	_ =	shalt  }
0x6c: {  	_ =	shalt  }
0x6d: {  	_ =	shalt  }
0x6e: {  	_ =	shalt  }
0x6f: {  	_ =	shalt  }
0x70: {  	_ =	shalt  }
0x71: {  	_ =	shalt  }
0x72: {  	_ =	shalt  }
0x73: {  	_ =	shalt  }
0x74: {  	_ =	shalt  }
0x75: {  	_ =	shalt  }
0x76: {  	_ =	shalt  }
0x77: {  	_ =	shalt  }
0x78: {  	_ =	shalt  }
0x79: {  	_ =	shalt  }
0x7a: {  	_ =	shalt  }
0x7b: {  	_ =	shalt  }
0x7c: {  	_ =	shalt  }
0x7d: {  	_ =	shalt  }
0x7e: {  	_ =	shalt  }
0x7f: {  	_ =	shalt  }
0x80: {  	_ =	shalt  }
0x81: {  	_ =	shalt  }
0x82: {  	_ =	shalt  }
0x83: {  	_ =	shalt  }
0x84: {  	_ =	shalt  }
0x85: {  	_ =	shalt  }
0x86: {  	_ =	shalt  }
0x87: {  	_ =	shalt  }
.Lfunc_end0:
.L_simem_size_0:
called_computation.1_lowered:
.L_overlay_start_0:
0x88: {  	s2 =	sld [smem:$0x3FD9]  }
0x89: {  	s3 =	sld [smem:$0x3FFE];
	_ =	sdelay $0x1  }
0x8a: {  	s1 =	srdreg.scid  }
0x8b: {  	s0 =	sand.u32 $0x1, s1  }
0x8c: {  	s17 =	sshll.u32 s0, $0xA;
	s2 =	sadd.s32 s3, s2  }
0x8d: {  	s2 =	sadd.s32 s2, s17  }
0x8e: {  	[smem:$0x3FB9] =	sst s2  }
0x8f: {  	_ = 	snop  }
0x90: {  	s2 =	sld [smem:$0x3FC8]  }
0x91: {  	s18 =	sld [smem:$0x3FC7]  }
0x92: {  	s4 =	sld [smem:$0x3FD0];
	(tm) =	ssettm $0x1  }
0x93: {  	s5 =	sld [smem:$0x3FFB];
	_ =	sdelay $0x3  }
0x94: {  	_ =	strace s5  }
0x95: {  	s5 =	sld [smem:$0x3FFC];
	_ =	sdelay $0x3  }
0x96: {  	_ =	strace s5  }
0x97: {  	s5 =	sld [smem:$0x3FFD];
	_ =	sdelay $0x3  }
0x98: {  	_ =	strace s5  }
0x99: {  	_ =	strace $0x8FFFFFFF  }
0x9a: {  	s19 =	sld [smem:$0x3FDB];
	_ =	sdelay $0x1  }
0x9b: {  	s6 =	simm.s32 $_scs_section_size  }
0x9c: {  	s7 =	simm.s32 $_size__tile_overlayer_lowered;
	s8 =	simm.s32 $_tile_overlayer_lowered  }
0x9d: {  	s22 =	simm.s32 $0x1BFF;
	s21 =	sshll.u32 s8, $0x1;
	s5 =	sadd.s32 s6, s19  }
0x9e: {  	s9 =	simm.s32 $0x0;
	s20 =	sshll.u32 s7, $0x1;
	s7 =	sadd.s32 s21, s5  }
0x9f: {  	[timem:s9], [sflag:s22] =	dma.local [hbm:s7], s20  }
0xa0: {  	_ =	swait.ge [sflag:s22], s20  }
0xa1: {  	s6 =	ssub.s32 $0x0, s20;
	[sflag:s22] =	ssyncset.done $0x0  }
0xa2: {  	[sflag:s22] =	ssyncadd.s32 s6;
	_ =	sdelay $0x1  }
0xa3: {  	s23 =	simm.s32 $0x1B8B  }
0xa4: {  	_ =	swait.ge [sflag:s23], $0x1  }
0xa5: {  	[sflag:s23] =	ssyncset.done $0x0  }
0xa6: {  	s25 =	simm.s32 $0x1B8E;
	s24 =	sld [smem:$0x3FFE];
	[sflag:s23] =	ssyncadd.s32 $0xFFFFFFFF  }
0xa7: {  	s26 =	simm.s32 $execute0_lowered;
	[smem:$0x3FD2] =	sst s25  }
0xa8: {  	s7 =	sshll.u32 s26, $0x1;
	_ =	strace $0x80000049;
	[dreg:$0x1] =	wrdreg $0xFFFFFFFF  }
0xa9: {  	s28 =	simm.s32 $_size_execute0_lowered;
	s5 =	sadd.s32 s5, s7;
	[dreg:$0x0] =	wrdreg $0x0  }
0xaa: {  	s7 =	sshll.u32 s28, $0x1;
	[dreg:$0x2] =	wrdreg s5  }
0xab: {  	[dreg:$0x3] =	wrdreg s7  }
0xac: {  	[dreg:$0x4] =	wrdreg $0xC0  }
0xad: {  	_ =	task [dreg:s9], $0x5FFFF  }
0xae: {  	[dreg:$0x1] =	wrdreg $0xFFFFFFFF  }
0xaf: {  	[dreg:$0x0] =	wrdreg $0x60  }
0xb0: {  	[dreg:$0x2] =	wrdreg s4  }
0xb1: {  	[dreg:$0x3] =	wrdreg s24  }
0xb2: {  	[dreg:$0x4] =	wrdreg s18  }
0xb3: {  	[dreg:$0x5] =	wrdreg s2  }
0xb4: {  	[dreg:$0x6] =	wrdreg $0xA7400  }
0xb5: {  	[dreg:$0x7] =	wrdreg $0x1E3400  }
0xb6: {  	[dreg:$0x8] =	wrdreg $0xA6000  }
0xb7: {  	[dreg:$0x9] =	wrdreg $0x9  }
0xb8: {  	_ =	task.clear_ibuf [dreg:s9], $0xAFFFF;
	_ =	strace $0x90000049  }
0xb9: {  	s29 =	simm.s32 $0x9;
	_ =	strace $0x8000004B  }
0xba: {  	_ =	swait.ge [sflag:s29], $0x1  }
0xbb: {  	[sflag:s29] =	ssyncadd.s32 $0xFFFFFFFF  }
0xbc: {  	_ =	strace $0x9000004B  }
0xbd: {  	_ =	sfence  }
0xbe: {  	s30 =	sld [smem:$0x0];
	_ =	sdelay $0x2  }
0xbf: {  	s31 =	sshll.u32 s1, $0xD;
	s1 =	sshrl.u32 s1, $0x2  }
0xc0: {  	s3 =	sand.u32 $0x4000, s31;
	s1 =	sadd.s32 s1, s30  }
0xc1: {  	s0 =	sor.u32 s3, s0;
	s1 =	sshll.u32 s1, $0x11  }
0xc2: {  	s0 =	sor.u32 s1, s0  }
0xc3: {  	s0 =	sadd.s32 $0x8F2B, s0  }
0xc4: {  	[sflag:s0] =	ssyncadd.remote.s32 $0x1  }
0xc5: {  	_ =	sfence.sel $0xFFFF  }
0xc6: {  	[dreg:$0x0] =	wrdreg $0xFFFFFFFF;
	(pc) =	sbr.abs _section_cstart, $3  }
0xc7: {  	[dreg:$0x1] =	wrdreg $0xFFFFFFFF  }
0xc8: {  	_ =	task.clear_ibuf [dreg:s9], $0x2FFFF;
	_ =	strace $0x9FFFFFFF  }
0xc9: {  	(tm) =	ssettm $0x7FFFFFFF  }
tec
execute0_lowered:
.L_overlay_start_1:
0x0: {  	(tag) =	ssettag $0x1  }
0x1: {  	s0 =	rddreg [dreg:$0x0]  }
0x2: {  	s3 =	rddreg [dreg:$0x1]  }
0x3: {  	s6 =	rddreg [dreg:$0x2]  }
0x4: {  	s7 =	rddreg [dreg:$0x3]  }
0x5: {  	s1 =	rddreg [dreg:$0x4]  }
0x6: {  	s2 =	rddreg [dreg:$0x5];
	s8 =	stileid.u32  }
0x7: {  	s5 =	srdreg.scid;
	s4 =	rddreg [dreg:$0x6];
	s28 =	simm.s32 $0xA0  }
0x8: {  	s30 =	simm.s32 $0xB;
	s9 =	smul.u32 $0x13C00, s8;
	s10 =	sand.u32 $0x1, s5  }
0x9: {  	s5 =	simm.s32 $0x0;
	s21 =	sadd.s32 $0x3800, s3;
	s14 =	smul.u32 $0x4F000, s8  }
0xa: {  	s23 =	sadd.s32 $0x3200, s3;
	s17 =	sshll.u32 s8, $0x6;
	s11 =	smul.u32 $0x13C000, s10  }
0xb: {  	p0 =	sne.s32 s8, $0x0;
	[smem:$0x7FF] =	sst s5;
	s24 =	smul.u32 $0x2780, s10  }
0xc: {  	s25 =	ssub.s32 $0x2, s10;
	s15 =	sshll.u32 s10, $0x4;
	s10 =	smul.u32 $0x140, s10  }
0xd: {  	_ =	strace $0x8000004A;
	s12 =	sshrl.u32 s9, $0x3;
	[dreg:$0x8] =	wrdreg s21  }
0xe: {  	[dreg:$0x9] =	wrdreg s23;
	s26 =	sshrl.u32 s25, $0x1;
	s15 =	sor.u32 s8, s15  }
0xf: {  	s29 =	sshrl.u32 s14, $0x2;
	[dreg:$0xb] =	wrdreg s17;
	s31 =	smul.u32 $0x14, s15  }
0x10: {  	s9 =	sadd.s32 s9, s11;
	s22 =	sadd.s32 s12, s3;
	s16 =	smul.u32 $0xA0, s15  }
0x11: {  	s20 =	ssub.s32 s25, s26;
	s18 =	ssub.s32 $0x7EF, s15;
	s25 =	smul.u32 $0x14, s8  }
0x12: {  	s9 =	sshrl.u32 s9, $0x3;
	s11 =	sadd.s32 $0x3E00, s22;
	s12 =	sshrl.u32 s18, $0x5  }
0x13: {  	s20 =	smax.u32 s20, $0x1;
	s13 =	sadd.s32 s9, s3;
	s3 =	sadd.s32 s24, s3  }
0x14: {  	s9 =	sadd.s32 s29, s1;
	[dreg:$0xc] =	wrdreg s11;
	s19 =	sadd.s32 s6, s31  }
0x15: {  	s21 =	sshrl.u32 s16, $0x3;
	s22 =	sadd.s32 s7, s31;
	[dreg:$0xa] =	wrdreg s9  }
0x16: {  	s29 =	sadd.s32 s10, s7;
	s9 =	sor.u32 $0x1C0B, s17;
	[dreg:$0xe] =	wrdreg s19  }
0x17: {  	[dreg:$0xf] =	wrdreg s22;
	s11 =	sadd.s32 $0x280, s21;
	s17 =	sadd.s32 $0xFFFFFFFF, s12  }
0x18: {  	s18 =	sadd.s32 $0x2B600, s13;
	s19 =	sadd.s32 $0x7A600, s3;
	s31 =	sadd.s32 s25, s29  }
0x19: {  	s3 =	simm.s32 $0xC;
	[dreg:$0xd] =	wrdreg s9;
	s23 =	sadd.s32 s6, s11  }
0x1a: {  	s24 =	sadd.s32 s7, s11;
	s6 =	sadd.s32 s10, s6;
	[dreg:$0x10] =	wrdreg s23  }
0x1b: {  	s10 =	sadd.s32 $0x500, s31;
	[dreg:$0x11] =	wrdreg s24;
	s26 =	sadd.s32 s25, s6  }
0x1c: {  	s23 =	simm.s32 $0x0;
	s11 =	sadd.s32 $0x500, s26;
	s26 =	simm.s32 $0x1  }
.LBB2_1:
0x1d: {  	s6 =	rddreg [dreg:$0xa]  }
0x1e: {  	s21 =	rddreg [dreg:$0xc]  }
0x1f: {  	s7 =	rddreg [dreg:$0xd];
	s25 =	sshrl.u32 @!p0 s2, $0x3;
	s29 =	sshrl.u32 s6, $0x3  }
0x20: {  	[spmem:s29], [sflag:s7] =	dma.local [hbm:s21], $0x2780  }
0x21: {  	s24 =	simm.s32 @!p0 $0xC;
	s6 =	simm.s32 @!p0 $0x1C0C;
	s7 =	rddreg [dreg:$0x9]  }
0x22: {  	[spmem:s25], [sflag:s6] =	dma.local @!p0 [hbm:s7], $0x4F0  }
0x23: {  	_ =	swait.ge @!p0 [sflag:s24], $0x4F0  }
0x24: {  	[sflag:s24] =	ssyncset.done @!p0 $0x0  }
0x25: {  	s7 =	sshrl.u32 @!p0 s4, $0x3;
	s8 =	rddreg [dreg:$0x8];
	[sflag:s24] =	ssyncadd.s32 @!p0 $0xFFFFFB10  }
0x26: {  	[spmem:s7], [sflag:s6] =	dma.local @!p0 [hbm:s8], $0x280  }
0x27: {  	_ =	swait.ge @!p0 [sflag:s24], $0x280  }
0x28: {  	[sflag:s24] =	ssyncset.done @!p0 $0x0  }
0x29: {  	s22 =	rddreg [dreg:$0xe];
	[sflag:s24] =	ssyncadd.s32 @!p0 $0xFFFFFD80  }
0x2a: {  	[tilespmem:s5], [sflag:$0x1] =	stream.linear.gather [hbm4b:s22+s5], $0xA0, $0x38;
	[tilespmem:$0x1E5B8] =	vst v63  }
0x2b: {  	s8 =	simm.s32 $0x200;
	s7 =	rddreg [dreg:$0xf]  }
0x2c: {  	[tilespmem:s8], [sflag:$0x1] =	stream.linear.gather [hbm4b:s7+s5], $0xA0, $0x38;
	[tilespmem:$0x1E5B8] =	vst v63  }
0x2d: {  	s13 =	simm.s32 $0x100;
	s9 =	rddreg [dreg:$0x10]  }
0x2e: {  	[tilespmem:s13], [sflag:$0x2] =	stream.linear.gather [hbm4b:s9+s5], $0xA0, $0x38;
	[tilespmem:$0x1E5B8] =	vst v63  }
0x2f: {  	s15 =	simm.s32 $0x300;
	s14 =	rddreg [dreg:$0x11]  }
0x30: {  	[tilespmem:s15], [sflag:$0x2] =	stream.linear.gather [hbm4b:s14+s5], $0xA0, $0x38;
	[tilespmem:$0x1E5B8] =	vst v63  }
0x31: {  	_ =	swait.ge [sflag:s26], $0xA0  }
0x32: {  	[sflag:s26] =	ssyncset.done $0x0  }
0x33: {  	[sflag:s26] =	ssyncadd.s32 $0xFFFFFF60  }
0x34: {  	_ =	swait.ge [sflag:s26], $0xA0  }
0x35: {  	[sflag:s26] =	ssyncset.done $0x0  }
0x36: {  	s16 =	simm.s32 $0x400;
	p1 =	sne.s32 s12, $0x1;
	[sflag:s26] =	ssyncadd.s32 $0xFFFFFF60  }
0x37: {  	[tilespmem:s16], [sflag:$0x3] =	stream.indirect.gather [hbm4b:s0+s28], $0x80, s5, s28, $0xb8;
	[tilespmem:$0x1E5B8] =	vst v63  }
.Ltmp0:
0x38: {  	s31 =	simm.s32 $0x1;
	_ =	swait.ge [sflag:s30], $0x2780;
	(pc) =	sbr.rel @!p1 .LBB2_2-.Ltmp0, $4  }
0x39: {  	p4 =	por $0x0, $0x0;
	s22 =	sand.u32 $0x1, s5;
	[sflag:s30] =	ssyncset.done $0x0  }
0x3a: {  	s21 =	simm.s32 $0xA400;
	p2 =	seq.s32 s22, $0x1;
	[sflag:s30] =	ssyncadd.s32 $0xFFFFD880  }
0x3b: {  	p3 =	sle.u32 @p2 s17, $0x0;
	s13 =	simm.s32 @p2 $0x2;
	[bflag:$0x0] =	sbarrier.arrive $0xFFFF  }
0x3c: {  	[tilespmem:s21], [sflag:$0x5] =	stream.indirect.gather [spmem:s4], $0x1, s5, s28, $0xb8;
	[tilespmem:$0x1E5B8] =	vst v63  }
0x3d: {  	p3 =	por p3, !p2  }
0x3e: {  	s6 =	simm.s32 @!p3 $0x1  }
0x3f: {  	_ =	swait.ge @!p3 [sflag:s6], $0xA0  }
0x40: {  	[sflag:s6] =	ssyncset.done @!p3 $0x0  }
0x41: {  	[sflag:s6] =	ssyncadd.s32 @!p3 $0xFFFFFF60  }
0x42: {  	_ =	swait.ge @!p3 [sflag:s6], $0xA0  }
0x43: {  	p1 =	por p2, p2;
	s7 =	simm.s32 @!p3 $0x400;
	[sflag:s6] =	ssyncset.done @!p3 $0x0  }
0x44: {  	s8 =	simm.s32 @!p3 $0xA0;
	s13 =	simm.s32 @!p3 $0x0;
	[sflag:s6] =	ssyncadd.s32 @!p3 $0xFFFFFF60  }
0x45: {  	[tilespmem:s7], [sflag:$0x3] =	stream.indirect.gather @!p3 [hbm4b:s0+s8], $0x80, s13, s8, $0xb8;
	[tilespmem:$0x1E5B8] =	vst v63  }
0x46: {  	s6 =	simm.s32 @!p3 $0xA400;
	s7 =	simm.s32 @p1 $0x4  }
0x47: {  	[tilespmem:s6], [sflag:$0x5] =	stream.indirect.gather @!p3 [spmem:s4], $0x1, s13, s8, $0xb8;
	[tilespmem:$0x1E5B8] =	vst v63  }
0x48: {  	_ =	swait.ge @p1 [sflag:s7], $0x5000  }
0x49: {  	[sflag:s7] =	ssyncset.done @p1 $0x0  }
0x4a: {  	s6 =	simm.s32 @p1 $0x6;
	[sflag:s7] =	ssyncadd.s32 @p1 $0xFFFFB000  }
0x4b: {  	_ =	swait.ge @p1 [sflag:s6], $0xA0  }
0x4c: {  	s8 =	simm.s32 @p1 $0xA0;
	[sflag:s6] =	ssyncset.done @p1 $0x0  }
0x4d: {  	s13 =	simm.s32 @p1 $0x300;
	s7 =	simm.s32 @p1 $0x5400;
	[sflag:s6] =	ssyncadd.s32 @p1 $0xFFFFFF60  }
0x4e: {  	[spmem:s1] =	stream.indirect.scatter.add.f32 @p1 [tilespmem:s7], [sflag:$0x8], $0x80, s13, s8, $0xb8;
	[tilespmem:$0x1E5B8] =	vst v63  }
0x4f: {  	s6 =	simm.s32 @p1 $0xA500;
	s7 =	simm.s32 @p1 $0x8  }
0x50: {  	[spmem:s2] =	stream.indirect.scatter.add.f32 @p1 [tilespmem:s6], [sflag:$0xA], $0x1, s13, s8, $0xb8;
	[tilespmem:$0x1E5B8] =	vst v63  }
0x51: {  	_ =	swait.ge @p1 [sflag:s7], $0x5000  }
0x52: {  	[sflag:s7] =	ssyncset.done @p1 $0x0  }
0x53: {  	s6 =	simm.s32 @p1 $0xA;
	[sflag:s7] =	ssyncadd.s32 @p1 $0xFFFFB000  }
0x54: {  	p3 =	sle.u32 @p1 s12, $0x2;
	_ =	swait.ge @p1 [sflag:s6], $0xA0  }
0x55: {  	p4 =	sle.u32 @!p2 s17, $0x0;
	p5 =	por p3, !p1;
	[sflag:s6] =	ssyncset.done @p1 $0x0  }
0x56: {  	s8 =	simm.s32 @!p5 $0x100;
	s7 =	simm.s32 @!p5 $0x0;
	[sflag:s6] =	ssyncadd.s32 @p1 $0xFFFFFF60  }
0x57: {  	[tilespmem:s8], [sflag:$0x2] =	stream.linear.gather @!p5 [hbm4b:s11+s7], $0xA0, $0x38;
	[tilespmem:$0x1E5B8] =	vst v63  }
0x58: {  	p3 =	por p4, p1;
	s6 =	simm.s32 @!p5 $0x300  }
0x59: {  	[tilespmem:s6], [sflag:$0x2] =	stream.linear.gather @!p5 [hbm4b:s10+s7], $0xA0, $0x38;
	[tilespmem:$0x1E5B8] =	vst v63  }
0x5a: {  	s6 =	simm.s32 @!p3 $0x2  }
0x5b: {  	_ =	swait.ge @!p3 [sflag:s6], $0xA0  }
0x5c: {  	[sflag:s6] =	ssyncset.done @!p3 $0x0  }
0x5d: {  	[sflag:s6] =	ssyncadd.s32 @!p3 $0xFFFFFF60  }
0x5e: {  	_ =	swait.ge @!p3 [sflag:s6], $0xA0  }
0x5f: {  	s13 =	simm.s32 @!p3 $0x100;
	[sflag:s6] =	ssyncset.done @!p3 $0x0  }
0x60: {  	s8 =	simm.s32 @!p3 $0xA0;
	s7 =	simm.s32 @!p3 $0x5400;
	[sflag:s6] =	ssyncadd.s32 @!p3 $0xFFFFFF60  }
0x61: {  	[tilespmem:s7], [sflag:$0x4] =	stream.indirect.gather @!p3 [hbm4b:s0+s8], $0x80, s13, s8, $0xb8;
	[tilespmem:$0x1E5B8] =	vst v63  }
0x62: {  	s6 =	simm.s32 @!p3 $0xA500;
	s7 =	simm.s32 @!p1 $0x3  }
0x63: {  	[tilespmem:s6], [sflag:$0x6] =	stream.indirect.gather @!p3 [spmem:s4], $0x1, s13, s8, $0xb8;
	[tilespmem:$0x1E5B8] =	vst v63  }
0x64: {  	_ =	swait.ge @!p1 [sflag:s7], $0x5000  }
0x65: {  	[sflag:s7] =	ssyncset.done @!p1 $0x0  }
0x66: {  	s6 =	simm.s32 @!p1 $0x5;
	[sflag:s7] =	ssyncadd.s32 @!p1 $0xFFFFB000  }
0x67: {  	s21 =	sadd.s32 $0x280, s11;
	_ =	swait.ge @!p1 [sflag:s6], $0xA0  }
0x68: {  	s22 =	sadd.s32 $0x280, s10;
	s14 =	simm.s32 @!p1 $0x200;
	[sflag:s6] =	ssyncset.done @!p1 $0x0  }
0x69: {  	s13 =	simm.s32 @!p1 $0xA0;
	s7 =	simm.s32 @!p1 $0x400;
	[sflag:s6] =	ssyncadd.s32 @!p1 $0xFFFFFF60  }
0x6a: {  	[spmem:s1] =	stream.indirect.scatter.add.f32 @!p1 [tilespmem:s7], [sflag:$0x7], $0x80, s14, s13, $0xb8;
	[tilespmem:$0x1E5B8] =	vst v63  }
0x6b: {  	s16 =	sand.u32 $0x1, s31;
	p4 =	sne.s32 s12, $0x2;
	s6 =	simm.s32 @!p1 $0xA400  }
0x6c: {  	[spmem:s2] =	stream.indirect.scatter.add.f32 @!p1 [tilespmem:s6], [sflag:$0x9], $0x1, s14, s13, $0xb8;
	[tilespmem:$0x1E5B8] =	vst v63  }
.Ltmp1:
0x6d: {  	s8 =	simm.s32 $0x2;
	s7 =	simm.s32 @!p1 $0x7;
	(pc) =	sbr.rel @!p4 .LBB2_4-.Ltmp1, $4  }
0x6e: {  	p3 =	sle.u32 @!p2 s12, $0x2;
	p2 =	seq.s32 s16, $0x1;
	_ =	swait.ge @!p1 [sflag:s7], $0x5000  }
0x6f: {  	p5 =	por p3, p1;
	p3 =	sle.u32 @p2 s17, $0x1;
	[sflag:s7] =	ssyncset.done @!p1 $0x0  }
0x70: {  	s14 =	simm.s32 @!p1 $0x9;
	s13 =	simm.s32 @p2 $0x3;
	[sflag:s7] =	ssyncadd.s32 @!p1 $0xFFFFB000  }
0x71: {  	s6 =	smov.u32 s11;
	s7 =	smov.u32 s10;
	_ =	swait.ge @!p1 [sflag:s14], $0xA0  }
.LBB2_5:
0x72: {  	p3 =	por p3, !p2  }
0x73: {  	p6 =	sge.u32 @!p2 s31, s17;
	[sflag:s14] =	ssyncset.done @!p1 $0x0;
	s15 =	smov.u32 s8  }
0x74: {  	s16 =	simm.s32 @!p5 $0x200;
	[sflag:s14] =	ssyncadd.s32 @!p1 $0xFFFFFF60;
	s14 =	simm.s32 @!p5 $0x0  }
0x75: {  	[tilespmem:s14], [sflag:$0x1] =	stream.linear.gather @!p5 [hbm4b:s6+s14], $0xA0, $0x38;
	[tilespmem:$0x1E5B8] =	vst v63  }
0x76: {  	s8 =	sadd.s32 $0x1, s8;
	s9 =	simm.s32 @!p3 $0x1;
	s6 =	sadd.s32 @!p2 $0x2, s31  }
0x77: {  	[tilespmem:s16], [sflag:$0x1] =	stream.linear.gather @!p5 [hbm4b:s7+s14], $0xA0, $0x38;
	[tilespmem:$0x1E5B8] =	vst v63  }
0x78: {  	p4 =	sne.s32 s12, s8;
	p5 =	sge.u32 @!p2 s6, s12;
	_ =	swait.ge @!p3 [sflag:s9], $0xA0  }
0x79: {  	s31 =	smov.u32 s15;
	s6 =	smov.u32 s21;
	[sflag:s9] =	ssyncset.done @!p3 $0x0  }
0x7a: {  	p1 =	por p2, p2;
	s7 =	smov.u32 s22;
	[sflag:s9] =	ssyncadd.s32 @!p3 $0xFFFFFF60  }
0x7b: {  	s14 =	simm.s32 @!p3 $0x400;
	_ =	swait.ge @!p3 [sflag:s9], $0xA0  }
0x7c: {  	s15 =	simm.s32 @!p3 $0xA0;
	s16 =	simm.s32 @!p3 $0x0;
	[sflag:s9] =	ssyncset.done @!p3 $0x0  }
0x7d: {  	[sflag:s9] =	ssyncadd.s32 @!p3 $0xFFFFFF60  }
0x7e: {  	[tilespmem:s14], [sflag:$0x3] =	stream.indirect.gather @!p3 [hbm4b:s0+s15], $0x80, s16, s15, $0xb8;
	[tilespmem:$0x1E5B8] =	vst v63  }
0x7f: {  	s9 =	simm.s32 @!p3 $0xA400;
	s14 =	simm.s32 @p1 $0x4  }
0x80: {  	[tilespmem:s9], [sflag:$0x5] =	stream.indirect.gather @!p3 [spmem:s4], $0x1, s16, s15, $0xb8;
	[tilespmem:$0x1E5B8] =	vst v63  }
0x81: {  	_ =	swait.ge @p1 [sflag:s14], $0x5000  }
0x82: {  	s9 =	simm.s32 @p1 $0x6;
	[sflag:s14] =	ssyncset.done @p1 $0x0  }
0x83: {  	[sflag:s14] =	ssyncadd.s32 @p1 $0xFFFFB000  }
0x84: {  	s14 =	simm.s32 @p1 $0x5400;
	_ =	swait.ge @p1 [sflag:s9], $0xA0  }
0x85: {  	s15 =	simm.s32 @p1 $0xA0;
	s16 =	simm.s32 @p1 $0x300;
	[sflag:s9] =	ssyncset.done @p1 $0x0  }
0x86: {  	[sflag:s9] =	ssyncadd.s32 @p1 $0xFFFFFF60  }
0x87: {  	[spmem:s1] =	stream.indirect.scatter.add.f32 @p1 [tilespmem:s14], [sflag:$0x8], $0x80, s16, s15, $0xb8;
	[tilespmem:$0x1E5B8] =	vst v63  }
0x88: {  	s9 =	simm.s32 @p1 $0xA500;
	s14 =	simm.s32 @p1 $0x8  }
0x89: {  	[spmem:s2] =	stream.indirect.scatter.add.f32 @p1 [tilespmem:s9], [sflag:$0xA], $0x1, s16, s15, $0xb8;
	[tilespmem:$0x1E5B8] =	vst v63  }
0x8a: {  	_ =	swait.ge @p1 [sflag:s14], $0x5000  }
0x8b: {  	s9 =	simm.s32 @p1 $0xA;
	[sflag:s14] =	ssyncset.done @p1 $0x0  }
0x8c: {  	p2 =	sge.u32 @p1 s13, s12;
	[sflag:s14] =	ssyncadd.s32 @p1 $0xFFFFB000  }
0x8d: {  	p3 =	por p2, !p1;
	_ =	swait.ge @p1 [sflag:s9], $0xA0  }
0x8e: {  	s13 =	simm.s32 @!p3 $0x0;
	s14 =	simm.s32 @!p3 $0x100;
	[sflag:s9] =	ssyncset.done @p1 $0x0  }
0x8f: {  	[sflag:s9] =	ssyncadd.s32 @p1 $0xFFFFFF60  }
0x90: {  	[tilespmem:s14], [sflag:$0x2] =	stream.linear.gather @!p3 [hbm4b:s21+s13], $0xA0, $0x38;
	[tilespmem:$0x1E5B8] =	vst v63  }
0x91: {  	p2 =	por p6, p1;
	s9 =	simm.s32 @!p3 $0x300  }
0x92: {  	[tilespmem:s9], [sflag:$0x2] =	stream.linear.gather @!p3 [hbm4b:s22+s13], $0xA0, $0x38;
	[tilespmem:$0x1E5B8] =	vst v63  }
0x93: {  	s9 =	simm.s32 @!p2 $0x2  }
0x94: {  	_ =	swait.ge @!p2 [sflag:s9], $0xA0  }
0x95: {  	[sflag:s9] =	ssyncset.done @!p2 $0x0  }
0x96: {  	[sflag:s9] =	ssyncadd.s32 @!p2 $0xFFFFFF60  }
0x97: {  	s13 =	simm.s32 @!p2 $0x5400;
	_ =	swait.ge @!p2 [sflag:s9], $0xA0  }
0x98: {  	s15 =	simm.s32 @!p2 $0x100;
	s14 =	simm.s32 @!p2 $0xA0;
	[sflag:s9] =	ssyncset.done @!p2 $0x0  }
0x99: {  	[sflag:s9] =	ssyncadd.s32 @!p2 $0xFFFFFF60  }
0x9a: {  	[tilespmem:s13], [sflag:$0x4] =	stream.indirect.gather @!p2 [hbm4b:s0+s14], $0x80, s15, s14, $0xb8;
	[tilespmem:$0x1E5B8] =	vst v63  }
0x9b: {  	s9 =	simm.s32 @!p2 $0xA500;
	s13 =	simm.s32 @!p1 $0x3  }
0x9c: {  	[tilespmem:s9], [sflag:$0x6] =	stream.indirect.gather @!p2 [spmem:s4], $0x1, s15, s14, $0xb8;
	[tilespmem:$0x1E5B8] =	vst v63  }
0x9d: {  	_ =	swait.ge @!p1 [sflag:s13], $0x5000  }
0x9e: {  	s9 =	simm.s32 @!p1 $0x5;
	[sflag:s13] =	ssyncset.done @!p1 $0x0  }
0x9f: {  	[sflag:s13] =	ssyncadd.s32 @!p1 $0xFFFFB000  }
0xa0: {  	s13 =	simm.s32 @!p1 $0x400;
	_ =	swait.ge @!p1 [sflag:s9], $0xA0  }
0xa1: {  	s14 =	simm.s32 @!p1 $0xA0;
	s15 =	simm.s32 @!p1 $0x200;
	[sflag:s9] =	ssyncset.done @!p1 $0x0  }
0xa2: {  	[sflag:s9] =	ssyncadd.s32 @!p1 $0xFFFFFF60  }
0xa3: {  	[spmem:s1] =	stream.indirect.scatter.add.f32 @!p1 [tilespmem:s13], [sflag:$0x7], $0x80, s15, s14, $0xb8;
	[tilespmem:$0x1E5B8] =	vst v63  }
0xa4: {  	s9 =	simm.s32 @!p1 $0xA400;
	s13 =	simm.s32 @!p1 $0x7  }
0xa5: {  	[spmem:s2] =	stream.indirect.scatter.add.f32 @!p1 [tilespmem:s9], [sflag:$0x9], $0x1, s15, s14, $0xb8;
	[tilespmem:$0x1E5B8] =	vst v63  }
.Ltmp2:
0xa6: {  	_ = 	snop;
	(pc) =	sbr.rel @p4 .LBB2_5-.Ltmp2, $4  }
0xa7: {  	s21 =	sadd.s32 $0x280, s21;
	s22 =	sadd.s32 $0x280, s22;
	_ =	swait.ge @!p1 [sflag:s13], $0x5000  }
0xa8: {  	s9 =	sand.u32 $0x1, s31;
	s14 =	simm.s32 @!p1 $0x9;
	[sflag:s13] =	ssyncset.done @!p1 $0x0  }
0xa9: {  	p5 =	por p5, p1;
	p2 =	seq.s32 s9, $0x1;
	[sflag:s13] =	ssyncadd.s32 @!p1 $0xFFFFB000  }
0xaa: {  	p3 =	sge.u32 @p2 s31, s17;
	s13 =	sadd.s32 @p2 $0x2, s31;
	_ =	swait.ge @!p1 [sflag:s14], $0xA0  }
0xab: {  	p4 =	por $0x1, $0x1  }
.LBB2_7:
0xac: {  	p1 =	por p1, !p4  }
0xad: {  	p4 =	por p5, !p4;
	[sflag:s14] =	ssyncset.done @!p1 $0x0  }
0xae: {  	p3 =	por p3, !p2;
	s8 =	simm.s32 @!p4 $0x0;
	[sflag:s14] =	ssyncadd.s32 @!p1 $0xFFFFFF60  }
0xaf: {  	[tilespmem:s8], [sflag:$0x1] =	stream.linear.gather @!p4 [hbm4b:s6+s8], $0xA0, $0x38;
	[tilespmem:$0x1E5B8] =	vst v63  }
0xb0: {  	s9 =	simm.s32 @!p3 $0x1;
	s6 =	simm.s32 @!p4 $0x200  }
0xb1: {  	[tilespmem:s6], [sflag:$0x1] =	stream.linear.gather @!p4 [hbm4b:s7+s8], $0xA0, $0x38;
	[tilespmem:$0x1E5B8] =	vst v63  }
0xb2: {  	_ =	swait.ge @!p3 [sflag:s9], $0xA0  }
0xb3: {  	[sflag:s9] =	ssyncset.done @!p3 $0x0  }
0xb4: {  	[sflag:s9] =	ssyncadd.s32 @!p3 $0xFFFFFF60  }
0xb5: {  	_ =	swait.ge @!p3 [sflag:s9], $0xA0  }
0xb6: {  	p1 =	por p2, p2;
	s6 =	simm.s32 @!p3 $0x400;
	[sflag:s9] =	ssyncset.done @!p3 $0x0  }
0xb7: {  	s7 =	simm.s32 @!p3 $0xA0;
	s8 =	simm.s32 @!p3 $0x0;
	[sflag:s9] =	ssyncadd.s32 @!p3 $0xFFFFFF60  }
0xb8: {  	[tilespmem:s6], [sflag:$0x3] =	stream.indirect.gather @!p3 [hbm4b:s0+s7], $0x80, s8, s7, $0xb8;
	[tilespmem:$0x1E5B8] =	vst v63  }
0xb9: {  	s9 =	simm.s32 @p1 $0x4;
	s6 =	simm.s32 @!p3 $0xA400  }
0xba: {  	[tilespmem:s6], [sflag:$0x5] =	stream.indirect.gather @!p3 [spmem:s4], $0x1, s8, s7, $0xb8;
	[tilespmem:$0x1E5B8] =	vst v63  }
0xbb: {  	_ =	swait.ge @p1 [sflag:s9], $0x5000  }
0xbc: {  	[sflag:s9] =	ssyncset.done @p1 $0x0  }
0xbd: {  	s6 =	simm.s32 @p1 $0x6;
	[sflag:s9] =	ssyncadd.s32 @p1 $0xFFFFB000  }
0xbe: {  	_ =	swait.ge @p1 [sflag:s6], $0xA0  }
0xbf: {  	s7 =	simm.s32 @p1 $0x5400;
	[sflag:s6] =	ssyncset.done @p1 $0x0  }
0xc0: {  	s8 =	simm.s32 @p1 $0xA0;
	s9 =	simm.s32 @p1 $0x300;
	[sflag:s6] =	ssyncadd.s32 @p1 $0xFFFFFF60  }
0xc1: {  	[spmem:s1] =	stream.indirect.scatter.add.f32 @p1 [tilespmem:s7], [sflag:$0x8], $0x80, s9, s8, $0xb8;
	[tilespmem:$0x1E5B8] =	vst v63  }
0xc2: {  	s6 =	simm.s32 @p1 $0xA500;
	s7 =	simm.s32 @p1 $0x8  }
0xc3: {  	[spmem:s2] =	stream.indirect.scatter.add.f32 @p1 [tilespmem:s6], [sflag:$0xA], $0x1, s9, s8, $0xb8;
	[tilespmem:$0x1E5B8] =	vst v63  }
0xc4: {  	_ =	swait.ge @p1 [sflag:s7], $0x5000  }
0xc5: {  	[sflag:s7] =	ssyncset.done @p1 $0x0  }
0xc6: {  	s6 =	simm.s32 @p1 $0xA;
	[sflag:s7] =	ssyncadd.s32 @p1 $0xFFFFB000  }
0xc7: {  	p3 =	sge.u32 @p1 s13, s12;
	_ =	swait.ge @p1 [sflag:s6], $0xA0  }
0xc8: {  	p4 =	sge.u32 @!p2 s31, s17;
	p5 =	por p3, !p1;
	[sflag:s6] =	ssyncset.done @p1 $0x0  }
0xc9: {  	s8 =	simm.s32 @!p5 $0x100;
	s7 =	simm.s32 @!p5 $0x0;
	[sflag:s6] =	ssyncadd.s32 @p1 $0xFFFFFF60  }
0xca: {  	[tilespmem:s8], [sflag:$0x2] =	stream.linear.gather @!p5 [hbm4b:s21+s7], $0xA0, $0x38;
	[tilespmem:$0x1E5B8] =	vst v63  }
0xcb: {  	p3 =	por p4, p1;
	s6 =	simm.s32 @!p5 $0x300  }
0xcc: {  	[tilespmem:s6], [sflag:$0x2] =	stream.linear.gather @!p5 [hbm4b:s22+s7], $0xA0, $0x38;
	[tilespmem:$0x1E5B8] =	vst v63  }
0xcd: {  	s6 =	simm.s32 @!p3 $0x2  }
0xce: {  	_ =	swait.ge @!p3 [sflag:s6], $0xA0  }
0xcf: {  	[sflag:s6] =	ssyncset.done @!p3 $0x0  }
0xd0: {  	[sflag:s6] =	ssyncadd.s32 @!p3 $0xFFFFFF60  }
0xd1: {  	_ =	swait.ge @!p3 [sflag:s6], $0xA0  }
0xd2: {  	s9 =	simm.s32 @!p3 $0x100;
	[sflag:s6] =	ssyncset.done @!p3 $0x0  }
0xd3: {  	s8 =	simm.s32 @!p3 $0xA0;
	s7 =	simm.s32 @!p3 $0x5400;
	[sflag:s6] =	ssyncadd.s32 @!p3 $0xFFFFFF60  }
0xd4: {  	[tilespmem:s7], [sflag:$0x4] =	stream.indirect.gather @!p3 [hbm4b:s0+s8], $0x80, s9, s8, $0xb8;
	[tilespmem:$0x1E5B8] =	vst v63  }
0xd5: {  	s6 =	simm.s32 @!p3 $0xA500;
	s7 =	simm.s32 @!p1 $0x3  }
0xd6: {  	[tilespmem:s6], [sflag:$0x6] =	stream.indirect.gather @!p3 [spmem:s4], $0x1, s9, s8, $0xb8;
	[tilespmem:$0x1E5B8] =	vst v63  }
0xd7: {  	_ =	swait.ge @!p1 [sflag:s7], $0x5000  }
0xd8: {  	[sflag:s7] =	ssyncset.done @!p1 $0x0  }
0xd9: {  	s6 =	simm.s32 @!p1 $0x5;
	[sflag:s7] =	ssyncadd.s32 @!p1 $0xFFFFB000  }
0xda: {  	_ =	swait.ge @!p1 [sflag:s6], $0xA0  }
0xdb: {  	s8 =	simm.s32 @!p1 $0xA0;
	[sflag:s6] =	ssyncset.done @!p1 $0x0  }
0xdc: {  	s9 =	simm.s32 @!p1 $0x200;
	s7 =	simm.s32 @!p1 $0x400;
	[sflag:s6] =	ssyncadd.s32 @!p1 $0xFFFFFF60  }
0xdd: {  	[spmem:s1] =	stream.indirect.scatter.add.f32 @!p1 [tilespmem:s7], [sflag:$0x7], $0x80, s9, s8, $0xb8;
	[tilespmem:$0x1E5B8] =	vst v63  }
0xde: {  	s6 =	simm.s32 @!p1 $0xA400;
	s7 =	simm.s32 @!p1 $0x7  }
0xdf: {  	[spmem:s2] =	stream.indirect.scatter.add.f32 @!p1 [tilespmem:s6], [sflag:$0x9], $0x1, s9, s8, $0xb8;
	[tilespmem:$0x1E5B8] =	vst v63  }
0xe0: {  	_ =	swait.ge @!p1 [sflag:s7], $0x5000  }
0xe1: {  	[sflag:s7] =	ssyncset.done @!p1 $0x0  }
0xe2: {  	s6 =	sadd.s32 @!p2 $0x2, s31;
	s8 =	simm.s32 @!p1 $0x9;
	[sflag:s7] =	ssyncadd.s32 @!p1 $0xFFFFB000  }
0xe3: {  	p2 =	sge.u32 @!p2 s6, s12;
	_ =	swait.ge @!p1 [sflag:s8], $0xA0  }
0xe4: {  	p2 =	por p2, p1;
	[sflag:s8] =	ssyncset.done @!p1 $0x0  }
0xe5: {  	s6 =	simm.s32 @!p2 $0x0;
	[sflag:s8] =	ssyncadd.s32 @!p1 $0xFFFFFF60  }
0xe6: {  	[tilespmem:s6], [sflag:$0x1] =	stream.linear.gather @!p2 [hbm4b:s21+s6], $0xA0, $0x38;
	[tilespmem:$0x1E5B8] =	vst v63  }
0xe7: {  	s7 =	simm.s32 @!p2 $0x200  }
0xe8: {  	[tilespmem:s7], [sflag:$0x1] =	stream.linear.gather @!p2 [hbm4b:s22+s6], $0xA0, $0x38;
	[tilespmem:$0x1E5B8] =	vst v63  }
0xe9: {  	[bflag:$0x0] =	sbarrier.arrive $0xFFFF  }
0xea: {  	s31 =	rddreg [dreg:$0xb]  }
0xeb: {  	s6 =	sor.u32 $0x1C0C, s31  }
0xec: {  	[hbm:s18], [sflag:s6] =	dma.local [spmem:s29], $0x2780  }
0xed: {  	s23 =	sadd.s32 $0x1, s23;
	_ =	swait.ge [sflag:s3], $0x2780  }
0xee: {  	s9 =	simm.s32 @!p0 $0x10;
	s8 =	simm.s32 @!p0 $0x80;
	[sflag:s3] =	ssyncset.done $0x0  }
0xef: {  	p1 =	sne.s32 s23, s20;
	s7 =	simm.s32 @!p0 $0x1;
	[sflag:s3] =	ssyncadd.s32 $0xFFFFD880  }
0xf0: {  	[hbm:s19@s8], [sflag:s6] =	dma.strided @!p0 [spmem:s25@s9], $0x4F0, s7, $0x10   }
.Ltmp3:
0xf1: {  	_ = 	snop;
	(pc) =	sbr.rel @p1 .LBB2_1-.Ltmp3, $4  }
.Ltmp4:
0xf2: {  	_ = 	snop;
	(pc) =	sbr.rel @!p1 .LBB2_8-.Ltmp4, $4  }
0xf3: {  	_ =	swait.ge @!p0 [sflag:s24], $0x4F0  }
0xf4: {  	[sflag:s24] =	ssyncset.done @!p0 $0x0  }
0xf5: {  	[sflag:s24] =	ssyncadd.s32 @!p0 $0xFFFFFB10  }
0xf6: {  	_ = 	snop  }
.LBB2_2:
.Ltmp5:
0xf7: {  	(pc) =	sbr.rel .LBB2_7-.Ltmp5, $2  }
0xf8: {  	_ =	sdelay $0x2  }
0xf9: {  	s31 =	simm.s32 $0x0;
	s21 =	smov.u32 s11;
	s22 =	smov.u32 s10  }
.LBB2_4:
.Ltmp6:
0xfa: {  	(pc) =	sbr.rel .LBB2_7-.Ltmp6, $2  }
0xfb: {  	_ =	sdelay $0x2  }
0xfc: {  	s6 =	smov.u32 s11;
	s7 =	smov.u32 s10;
	p4 =	por $0x1, $0x1  }
.LBB2_8:
0xfd: {  	_ =	sfence.sel $0x180000  }
0xfe: {  	[bflag:$0x0] =	sbarrier.arrive $0xFFFF  }
0xff: {  	_ =	strace $0x9000004A  }
0x100: {  	[bflag:$0x2] =	sbarrier.arrive $0xFFFF  }
0x101: {  	s0 =	rddreg [dreg:$0x7]  }
0x102: {  	s0 =	sadd.s32 @!p0 $0x100000, s0  }
0x103: {  	[sflag:s0] =	ssyncadd.tile.s32 @!p0 $0x1;
	_ =	shalt  }
.Lfunc_end2:
_tile_overlayer_lowered:
.L_overlay_start_2:
0x104: {  	(tag) =	ssettag $0x2  }
0x105: {  	s0 =	rddreg [dreg:$0x0];
	s2 =	stileid.u32  }
0x106: {  	s1 =	rddreg [dreg:$0x1];
	p0 =	sne.s32 s2, $0x0  }
0x107: {  	s3 =	rddreg [dreg:$0x2];
	[bflag:$0x3] =	sbarrier.arrive $0xFFFF;
	s2 =	simm.s32 @!p0 $0x1C0C  }
0x108: {  	[timem:s3], [sflag:s2] =	dma.local @!p0 [hbm:s0], s1  }
0x109: {  	s0 =	simm.s32 @!p0 $0xC  }
0x10a: {  	_ =	swait.ge @!p0 [sflag:s0], s1  }
0x10b: {  	s1 =	ssub.s32 @!p0 $0x0, s1;
	[sflag:s0] =	ssyncset.done @!p0 $0x0  }
0x10c: {  	[sflag:s0] =	ssyncadd.s32 @!p0 s1  }
0x10d: {  	[bflag:$0x3] =	sbarrier.arrive $0xFFFF  }
0x10e: {  	_ =	shalt  }

// kernel: kernel.7.cloned.1.call-start
scs
__scs_entry_jumppad:
0x0: {  	(pc) =	sbr.rel $0x88, $3  }
0x1: {  	(tag) =	ssettag $0x0;
	lr =	simm.s32 $0x1  }
0x2: {  	[smem:$0x3F92] =	sst lr;
	_ =	strace $0xD0000000  }
0x3: {  	_ = 	snop  }
0x4: {  	_ = 	snop  }
0x5: {  	_ = 	snop  }
0x6: {  	_ = 	snop  }
0x7: {  	_ = 	snop  }
__scs_overlays_trampoline_lowered:
0x8: {  	[smem:$0x3FA1] =	sst s0  }
0x9: {  	[smem:$0x3FA2] =	sst s1  }
0xa: {  	[smem:$0x3FA3] =	sst s2  }
0xb: {  	[smem:$0x3FA4] =	sst s3  }
0xc: {  	[smem:$0x3FA5] =	sst s4  }
0xd: {  	[smem:$0x3FA6] =	sst s5  }
0xe: {  	[smem:$0x3FA7] =	sst s6  }
0xf: {  	[smem:$0x3FA8] =	sst s7  }
0x10: {  	[smem:$0x3FA9] =	sst s8  }
0x11: {  	[smem:$0x3FAA] =	sst s9;
	s0 =	simm.s32 @!p0 $0x0  }
0x12: {  	s1 =	sld [smem:$0x3F90];
	s0 =	simm.s32 @p0 $0x1  }
0x13: {  	[smem:$0x3FAB] =	sst s0;
	s0 =	simm.s32 @!p1 $0x0  }
0x14: {  	s2 =	sld [smem:$0x3F8F];
	s0 =	simm.s32 @p1 $0x1  }
0x15: {  	[smem:$0x3FAC] =	sst s0;
	s0 =	simm.s32 @!p2 $0x0  }
0x16: {  	s3 =	sld [smem:$0x3FDB];
	s0 =	simm.s32 @p2 $0x1  }
0x17: {  	s4 =	simm.s32 $0x1BF5;
	[smem:$0x3FAE] =	sst s0  }
0x18: {  	s0 =	sld [smem:$0x3F91];
	_ =	swait.ge [sflag:s4], $0x0  }
0x19: {  	s7 =	sld [smem:$0x3F92]  }
0x1a: {  	s8 =	sadd.s32 $0xFFFFE003, lr  }
0x1b: {  	s9 =	sadd.s32 $0xFFFFFEF7, lr;
	s5 =	simm.s32 $0xFFFFFFFF;
	p2 =	slt.u32 s8, $0xFFFFF086  }
0x1c: {  	p1 =	slt.u32 s9, $0xF7A;
	s5 =	simm.s32 @!p2 $0x0  }
0x1d: {  	s5 =	simm.s32 @p1 $0x1;
	p0 =	seq.s32 s7, s2  }
0x1e: {  	s7 =	smul.u32 @!p0 $0xF7A, s2;
	p2 =	seq.s32 @!p0 s5, $0x0  }
0x1f: {  	s9 =	smul.u32 $0xF7A, s1;
	s8 =	simm.s32 @!p0 $0x1BF5;
	p2 =	por !p2, p0  }
0x20: {  	[sflag:s8] =	ssyncset.s32 @!p0 $0xFFFFF086;
	s6 =	sadd.s32 @!p0 s3, s7;
	s7 =	simm.s32 @!p0 $0x108  }
0x21: {  	s3 =	sadd.s32 s3, s9;
	s6 =	sadd.s32 @!p0 $0x88, s6;
	s7 =	simm.s32 @p2 $0x1082  }
0x22: {  	[simem:s7], [sflag:s8] =	dma.local @!p0 [hbm:s6], $0xF7A  }
0x23: {  	s9 =	sor.u32 $0xD0000000, s2;
	s6 =	simm.s32 $0x108;
	_ =	swait.ge @!p0 [sflag:s8], $0x0  }
0x24: {  	s3 =	sadd.s32 $0x88, s3;
	s6 =	simm.s32 @!p1 $0x1082;
	[sflag:s4] =	ssyncset.s32 $0xFFFFF086  }
0x25: {  	[simem:s6], [sflag:s4] =	dma.local [hbm:s3], $0xF7A  }
0x26: {  	[smem:$0x3F92] =	sst s1;
	(tag) =	ssettag s2;
	_ =	strace s9  }
0x27: {  	s1 =	sld [smem:$0x3FA2]  }
0x28: {  	s2 =	sld [smem:$0x3FA3]  }
0x29: {  	s4 =	sld [smem:$0x3FA5]  }
0x2a: {  	p0 =	seq.s32 s5, $0x0;
	s5 =	sld [smem:$0x3FA6]  }
0x2b: {  	s6 =	sld [smem:$0x3FA7]  }
0x2c: {  	s7 =	sld [smem:$0x3FA8]  }
0x2d: {  	s3 =	simm.s32 $0x108;
	s8 =	sld [smem:$0x3FA9]  }
0x2e: {  	s3 =	simm.s32 @!p0 $0x1082;
	s9 =	sld [smem:$0x3FAA]  }
0x2f: {  	lr =	sadd.s32 s0, s3;
	s0 =	sld [smem:$0x3FA1]  }
0x30: {  	s3 =	sld [smem:$0x3FA4]  }
0x31: {  	[smem:$0x3FAD] =	sst s10  }
0x32: {  	s10 =	sld [smem:$0x3FAB];
	_ =	sdelay $0x3  }
0x33: {  	p0 =	seq.s32 s10, $0x1;
	s10 =	sld [smem:$0x3FAD];
	_ =	sdelay $0x3  }
0x34: {  	[smem:$0x3FAD] =	sst s10  }
0x35: {  	s10 =	sld [smem:$0x3FAC];
	_ =	sdelay $0x3  }
0x36: {  	p1 =	seq.s32 s10, $0x1;
	s10 =	sld [smem:$0x3FAD];
	_ =	sdelay $0x3  }
0x37: {  	[smem:$0x3FAD] =	sst s10  }
0x38: {  	s10 =	sld [smem:$0x3FAE]  }
0x39: {  	_ = 	snop;
	(pc) =	sbr.ind lr, $3  }
0x3a: {  	_ = 	snop  }
0x3b: {  	_ = 	snop  }
0x3c: {  	p2 =	seq.s32 s10, $0x1;
	s10 =	sld [smem:$0x3FAD]  }
0x3d: {  	_ =	shalt  }
0x3e: {  	_ =	shalt  }
0x3f: {  	_ =	shalt  }
0x40: {  	_ =	shalt  }
0x41: {  	_ =	shalt  }
0x42: {  	_ =	shalt  }
0x43: {  	_ =	shalt  }
0x44: {  	_ =	shalt  }
0x45: {  	_ =	shalt  }
0x46: {  	_ =	shalt  }
0x47: {  	_ =	shalt  }
0x48: {  	_ =	shalt  }
0x49: {  	_ =	shalt  }
0x4a: {  	_ =	shalt  }
0x4b: {  	_ =	shalt  }
0x4c: {  	_ =	shalt  }
0x4d: {  	_ =	shalt  }
0x4e: {  	_ =	shalt  }
0x4f: {  	_ =	shalt  }
0x50: {  	_ =	shalt  }
0x51: {  	_ =	shalt  }
0x52: {  	_ =	shalt  }
0x53: {  	_ =	shalt  }
0x54: {  	_ =	shalt  }
0x55: {  	_ =	shalt  }
0x56: {  	_ =	shalt  }
0x57: {  	_ =	shalt  }
0x58: {  	_ =	shalt  }
0x59: {  	_ =	shalt  }
0x5a: {  	_ =	shalt  }
0x5b: {  	_ =	shalt  }
0x5c: {  	_ =	shalt  }
0x5d: {  	_ =	shalt  }
0x5e: {  	_ =	shalt  }
0x5f: {  	_ =	shalt  }
0x60: {  	_ =	shalt  }
0x61: {  	_ =	shalt  }
0x62: {  	_ =	shalt  }
0x63: {  	_ =	shalt  }
0x64: {  	_ =	shalt  }
0x65: {  	_ =	shalt  }
0x66: {  	_ =	shalt  }
0x67: {  	_ =	shalt  }
0x68: {  	_ =	shalt  }
0x69: {  	_ =	shalt  }
0x6a: {  	_ =	shalt  }
0x6b: {  	_ =	shalt  }
0x6c: {  	_ =	shalt  }
0x6d: {  	_ =	shalt  }
0x6e: {  	_ =	shalt  }
0x6f: {  	_ =	shalt  }
0x70: {  	_ =	shalt  }
0x71: {  	_ =	shalt  }
0x72: {  	_ =	shalt  }
0x73: {  	_ =	shalt  }
0x74: {  	_ =	shalt  }
0x75: {  	_ =	shalt  }
0x76: {  	_ =	shalt  }
0x77: {  	_ =	shalt  }
0x78: {  	_ =	shalt  }
0x79: {  	_ =	shalt  }
0x7a: {  	_ =	shalt  }
0x7b: {  	_ =	shalt  }
0x7c: {  	_ =	shalt  }
0x7d: {  	_ =	shalt  }
0x7e: {  	_ =	shalt  }
0x7f: {  	_ =	shalt  }
0x80: {  	_ =	shalt  }
0x81: {  	_ =	shalt  }
0x82: {  	_ =	shalt  }
0x83: {  	_ =	shalt  }
0x84: {  	_ =	shalt  }
0x85: {  	_ =	shalt  }
0x86: {  	_ =	shalt  }
0x87: {  	_ =	shalt  }
.Lfunc_end0:
.L_simem_size_0:
called_computation_lowered:
.L_overlay_start_0:
0x88: {  	s2 =	sld [smem:$0x3FD9]  }
0x89: {  	s3 =	sld [smem:$0x3FFE];
	_ =	sdelay $0x1  }
0x8a: {  	s1 =	srdreg.scid  }
0x8b: {  	s0 =	sand.u32 $0x1, s1  }
0x8c: {  	s17 =	sshll.u32 s0, $0xA;
	s2 =	sadd.s32 s3, s2  }
0x8d: {  	s2 =	sadd.s32 s2, s17  }
0x8e: {  	[smem:$0x3FB9] =	sst s2  }
0x8f: {  	_ = 	snop  }
0x90: {  	s2 =	sld [smem:$0x3FC8]  }
0x91: {  	s18 =	sld [smem:$0x3FC7]  }
0x92: {  	s4 =	sld [smem:$0x3FD0];
	(tm) =	ssettm $0x1  }
0x93: {  	s5 =	sld [smem:$0x3FFB];
	_ =	sdelay $0x3  }
0x94: {  	_ =	strace s5  }
0x95: {  	s5 =	sld [smem:$0x3FFC];
	_ =	sdelay $0x3  }
0x96: {  	_ =	strace s5  }
0x97: {  	s5 =	sld [smem:$0x3FFD];
	_ =	sdelay $0x3  }
0x98: {  	_ =	strace s5  }
0x99: {  	_ =	strace $0x8FFFFFFF  }
0x9a: {  	s19 =	sld [smem:$0x3FDB];
	_ =	sdelay $0x1  }
0x9b: {  	s6 =	simm.s32 $_scs_section_size  }
0x9c: {  	s7 =	simm.s32 $_size__tile_overlayer_lowered;
	s8 =	simm.s32 $_tile_overlayer_lowered  }
0x9d: {  	s22 =	simm.s32 $0x1BFF;
	s21 =	sshll.u32 s8, $0x1;
	s5 =	sadd.s32 s6, s19  }
0x9e: {  	s9 =	simm.s32 $0x0;
	s20 =	sshll.u32 s7, $0x1;
	s7 =	sadd.s32 s21, s5  }
0x9f: {  	[timem:s9], [sflag:s22] =	dma.local [hbm:s7], s20  }
0xa0: {  	_ =	swait.ge [sflag:s22], s20  }
0xa1: {  	s6 =	ssub.s32 $0x0, s20;
	[sflag:s22] =	ssyncset.done $0x0  }
0xa2: {  	[sflag:s22] =	ssyncadd.s32 s6;
	_ =	sdelay $0x1  }
0xa3: {  	s23 =	simm.s32 $0x1B8B  }
0xa4: {  	_ =	swait.ge [sflag:s23], $0x1  }
0xa5: {  	[sflag:s23] =	ssyncset.done $0x0  }
0xa6: {  	s25 =	simm.s32 $0x1B8E;
	s24 =	sld [smem:$0x3FFE];
	[sflag:s23] =	ssyncadd.s32 $0xFFFFFFFF  }
0xa7: {  	s26 =	simm.s32 $execute0_lowered;
	[smem:$0x3FD2] =	sst s25  }
0xa8: {  	s7 =	sshll.u32 s26, $0x1;
	_ =	strace $0x80000046;
	[dreg:$0x1] =	wrdreg $0xFFFFFFFF  }
0xa9: {  	s28 =	simm.s32 $_size_execute0_lowered;
	s5 =	sadd.s32 s5, s7;
	[dreg:$0x0] =	wrdreg $0x0  }
0xaa: {  	s7 =	sshll.u32 s28, $0x1;
	[dreg:$0x2] =	wrdreg s5  }
0xab: {  	[dreg:$0x3] =	wrdreg s7  }
0xac: {  	[dreg:$0x4] =	wrdreg $0xC0  }
0xad: {  	_ =	task [dreg:s9], $0x5FFFF  }
0xae: {  	[dreg:$0x1] =	wrdreg $0xFFFFFFFF  }
0xaf: {  	[dreg:$0x0] =	wrdreg $0x60  }
0xb0: {  	[dreg:$0x2] =	wrdreg s4  }
0xb1: {  	[dreg:$0x3] =	wrdreg s24  }
0xb2: {  	[dreg:$0x4] =	wrdreg s2  }
0xb3: {  	[dreg:$0x5] =	wrdreg s18  }
0xb4: {  	[dreg:$0x6] =	wrdreg $0x149000  }
0xb5: {  	[dreg:$0x7] =	wrdreg $0x1E9000  }
0xb6: {  	[dreg:$0x8] =	wrdreg $0x9  }
0xb7: {  	_ =	task.clear_ibuf [dreg:s9], $0x9FFFF;
	_ =	strace $0x90000046  }
0xb8: {  	s29 =	simm.s32 $0x9;
	_ =	strace $0x80000048  }
0xb9: {  	_ =	swait.ge [sflag:s29], $0x1  }
0xba: {  	[sflag:s29] =	ssyncadd.s32 $0xFFFFFFFF  }
0xbb: {  	_ =	strace $0x90000048  }
0xbc: {  	_ =	sfence  }
0xbd: {  	s30 =	sld [smem:$0x0];
	_ =	sdelay $0x2  }
0xbe: {  	s31 =	sshll.u32 s1, $0xD;
	s1 =	sshrl.u32 s1, $0x2  }
0xbf: {  	s3 =	sand.u32 $0x4000, s31;
	s1 =	sadd.s32 s1, s30  }
0xc0: {  	s0 =	sor.u32 s3, s0;
	s1 =	sshll.u32 s1, $0x11  }
0xc1: {  	s0 =	sor.u32 s1, s0  }
0xc2: {  	s0 =	sadd.s32 $0x8F2B, s0  }
0xc3: {  	[sflag:s0] =	ssyncadd.remote.s32 $0x1  }
0xc4: {  	_ =	sfence.sel $0xFFFF  }
0xc5: {  	[dreg:$0x0] =	wrdreg $0xFFFFFFFF;
	(pc) =	sbr.abs _section_cstart, $3  }
0xc6: {  	[dreg:$0x1] =	wrdreg $0xFFFFFFFF  }
0xc7: {  	_ =	task.clear_ibuf [dreg:s9], $0x2FFFF;
	_ =	strace $0x9FFFFFFF  }
0xc8: {  	(tm) =	ssettm $0x7FFFFFFF  }
0xc9: {  	_ =	shalt  }
tec
execute0_lowered:
.L_overlay_start_1:
0x0: {  	(tag) =	ssettag $0x1  }
0x1: {  	s0 =	rddreg [dreg:$0x0]  }
0x2: {  	s2 =	rddreg [dreg:$0x1]  }
0x3: {  	s6 =	rddreg [dreg:$0x2]  }
0x4: {  	s7 =	rddreg [dreg:$0x3]  }
0x5: {  	s1 =	rddreg [dreg:$0x4]  }
0x6: {  	s9 =	stileid.u32;
	s4 =	srdreg.scid  }
0x7: {  	s3 =	rddreg [dreg:$0x5];
	s28 =	simm.s32 $0x1;
	s5 =	smul.u32 $0xA000, s9  }
0x8: {  	s31 =	simm.s32 $0x9;
	s10 =	sand.u32 $0x1, s4;
	s13 =	smul.u32 $0x28000, s9  }
0x9: {  	s4 =	simm.s32 $0x0;
	s12 =	sadd.s32 $0x3200, s2;
	s8 =	smul.u32 $0xA0000, s10  }
0xa: {  	p1 =	sne.s32 s9, $0x0;
	[smem:$0x7FF] =	sst s4;
	s17 =	smul.u32 $0x1400, s10  }
0xb: {  	s18 =	ssub.s32 $0x2, s10;
	s14 =	sshll.u32 s10, $0x4;
	s10 =	smul.u32 $0x280, s10  }
0xc: {  	_ =	strace $0x80000047;
	s11 =	sshrl.u32 s5, $0x3;
	[dreg:$0x7] =	wrdreg s12  }
0xd: {  	s19 =	sshrl.u32 s18, $0x1;
	s14 =	sor.u32 s9, s14;
	s20 =	sshrl.u32 s13, $0x2  }
0xe: {  	s8 =	sadd.s32 s5, s8;
	s5 =	sadd.s32 $0x3800, s2;
	s21 =	smul.u32 $0x28, s14  }
0xf: {  	s11 =	sadd.s32 s11, s2;
	s18 =	ssub.s32 s18, s19;
	s15 =	smul.u32 $0x140, s14  }
0x10: {  	s23 =	ssub.s32 $0x407, s14;
	s19 =	smul.u32 $0x28, s9;
	s8 =	sshrl.u32 s8, $0x3  }
0x11: {  	s11 =	sadd.s32 $0x3E00, s11;
	s18 =	smax.u32 s18, $0x1;
	s16 =	sadd.s32 s8, s2  }
0x12: {  	s2 =	sadd.s32 s17, s2;
	s8 =	sadd.s32 s20, s1;
	[dreg:$0x9] =	wrdreg s11  }
0x13: {  	s11 =	sshrl.u32 s23, $0x5;
	s24 =	sadd.s32 s6, s21;
	[dreg:$0x8] =	wrdreg s8  }
0x14: {  	s25 =	sshrl.u32 s15, $0x3;
	s26 =	sadd.s32 s7, s21;
	[dreg:$0xb] =	wrdreg s24  }
0x15: {  	s8 =	sshll.u32 s9, $0x6;
	[dreg:$0xc] =	wrdreg s26;
	s15 =	sadd.s32 $0x500, s25  }
0x16: {  	s16 =	sadd.s32 $0x2B600, s16;
	s17 =	sadd.s32 $0x53600, s2;
	s2 =	simm.s32 $0x0  }
0x17: {  	s9 =	simm.s32 @!p1 $0x0;
	s22 =	sor.u32 $0x1C09, s8;
	s29 =	sadd.s32 s6, s15  }
0x18: {  	s15 =	sadd.s32 s7, s15;
	s6 =	sadd.s32 s10, s6;
	[dreg:$0xa] =	wrdreg s22  }
0x19: {  	s7 =	sadd.s32 s10, s7;
	s9 =	simm.s32 @p1 $0x1;
	[dreg:$0xd] =	wrdreg s29  }
0x1a: {  	s30 =	sadd.s32 s19, s6;
	s7 =	sadd.s32 s19, s7;
	s22 =	simm.s32 $0xA  }
0x1b: {  	[smem:$0x7FD] =	sst s9;
	s6 =	sadd.s32 $0xA00, s30;
	s7 =	sadd.s32 $0xA00, s7  }
.LBB2_1:
0x1c: {  	s9 =	rddreg [dreg:$0x8]  }
0x1d: {  	s29 =	rddreg [dreg:$0x9]  }
0x1e: {  	s10 =	rddreg [dreg:$0xa];
	s23 =	sshrl.u32 @!p1 s3, $0x3;
	s24 =	sshrl.u32 s9, $0x3  }
0x1f: {  	[spmem:s24], [sflag:s10] =	dma.local [hbm:s29], $0x1400  }
0x20: {  	s21 =	simm.s32 @!p1 $0xA;
	s9 =	simm.s32 @!p1 $0x1C0A;
	s10 =	rddreg [dreg:$0x7]  }
0x21: {  	[spmem:s23], [sflag:s9] =	dma.local @!p1 [hbm:s10], $0x280  }
0x22: {  	_ =	swait.ge @!p1 [sflag:s21], $0x280  }
0x23: {  	[sflag:s21] =	ssyncset.done @!p1 $0x0  }
0x24: {  	s30 =	simm.s32 $0x14600;
	[sflag:s21] =	ssyncadd.s32 @!p1 $0xFFFFFD80  }
0x25: {  	[tilespmem:s30], [sflag:$0xA] =	stream.linear.gather [hbm4b:s5+s4], $0x140, $0x38;
	[tilespmem:$0x1EA40] =	vst v63  }
0x26: {  	_ =	swait.ge [sflag:s22], $0x140  }
0x27: {  	[sflag:s22] =	ssyncset.done $0x0  }
0x28: {  	s10 =	simm.s32 $0x14780;
	[sflag:s22] =	ssyncadd.s32 $0xFFFFFEC0  }
0x29: {  	[tilespmem:s10], [sflag:$0xA] =	stream.linear.gather [hbm4b:s5+s4], $0x140, $0x38;
	[tilespmem:$0x1EA40] =	vst v63  }
0x2a: {  	_ =	swait.ge [sflag:s22], $0x140  }
0x2b: {  	[sflag:s22] =	ssyncset.done $0x0  }
0x2c: {  	s12 =	rddreg [dreg:$0xb];
	[sflag:s22] =	ssyncadd.s32 $0xFFFFFEC0  }
0x2d: {  	[tilespmem:s4], [sflag:$0x1] =	stream.linear.gather [hbm4b:s12+s4], $0x140, $0x38;
	[tilespmem:$0x1EA40] =	vst v63  }
0x2e: {  	s14 =	simm.s32 $0x300;
	s13 =	rddreg [dreg:$0xc]  }
0x2f: {  	[tilespmem:s14], [sflag:$0x1] =	stream.linear.gather [hbm4b:s13+s4], $0x140, $0x38;
	[tilespmem:$0x1EA40] =	vst v63  }
0x30: {  	s20 =	simm.s32 $0x180;
	s19 =	rddreg [dreg:$0xd]  }
0x31: {  	[tilespmem:s20], [sflag:$0x2] =	stream.linear.gather [hbm4b:s19+s4], $0x140, $0x38;
	[tilespmem:$0x1EA40] =	vst v63  }
0x32: {  	s25 =	simm.s32 $0x480  }
0x33: {  	[tilespmem:s25], [sflag:$0x2] =	stream.linear.gather [hbm4b:s15+s4], $0x140, $0x38;
	[tilespmem:$0x1EA40] =	vst v63  }
0x34: {  	_ =	swait.ge [sflag:s28], $0x140  }
0x35: {  	[sflag:s28] =	ssyncset.done $0x0  }
0x36: {  	[sflag:s28] =	ssyncadd.s32 $0xFFFFFEC0  }
0x37: {  	_ =	swait.ge [sflag:s28], $0x140  }
0x38: {  	s26 =	simm.s32 $0x140;
	[sflag:s28] =	ssyncset.done $0x0  }
0x39: {  	p0 =	sne.s32 s11, $0x1;
	s29 =	simm.s32 $0x600;
	[sflag:s28] =	ssyncadd.s32 $0xFFFFFEC0  }
0x3a: {  	[tilespmem:s29], [sflag:$0x3] =	stream.indirect.gather [hbm4b:s0+s26], $0x80, s4, s26, $0xb8;
	[tilespmem:$0x1EA40] =	vst v63  }
.Ltmp0:
0x3b: {  	_ =	swait.ge [sflag:s31], $0x1400;
	(pc) =	sbr.rel @!p0 .LBB2_2-.Ltmp0, $4  }
0x3c: {  	[sflag:s31] =	ssyncset.done $0x0  }
0x3d: {  	s30 =	sand.u32 $0x1, s4;
	[sflag:s31] =	ssyncadd.s32 $0xFFFFEC00  }
0x3e: {  	p2 =	seq.s32 s30, $0x1;
	[bflag:$0x0] =	sbarrier.arrive $0xFFFF  }
0x3f: {  	p4 =	sle.u32 @p2 s11, $0x1;
	p3 =	sle.u32 @p2 s11, $0x2;
	s25 =	simm.s32 $0x1  }
0x40: {  	p0 =	por p4, !p2  }
0x41: {  	s9 =	simm.s32 @!p0 $0x1  }
0x42: {  	_ =	swait.ge @!p0 [sflag:s9], $0x140  }
0x43: {  	[sflag:s9] =	ssyncset.done @!p0 $0x0  }
0x44: {  	[sflag:s9] =	ssyncadd.s32 @!p0 $0xFFFFFEC0  }
0x45: {  	p1 =	por p2, p2;
	_ =	swait.ge @!p0 [sflag:s9], $0x140  }
0x46: {  	s10 =	simm.s32 @!p0 $0x600;
	s19 =	simm.s32 @p1 $0x4;
	[sflag:s9] =	ssyncset.done @!p0 $0x0  }
0x47: {  	s20 =	simm.s32 @!p0 $0x140;
	s26 =	simm.s32 @!p0 $0x0;
	[sflag:s9] =	ssyncadd.s32 @!p0 $0xFFFFFEC0  }
0x48: {  	[tilespmem:s10], [sflag:$0x3] =	stream.indirect.gather @!p0 [hbm4b:s0+s20], $0x80, s26, s20, $0xb8;
	[tilespmem:$0x1EA40] =	vst v63  }
0x49: {  	_ =	swait.ge @p1 [sflag:s19], $0xA000  }
0x4a: {  	s9 =	simm.s32 @p1 $0xA600;
	[sflag:s19] =	ssyncset.done @p1 $0x0  }
0x4b: {  	s10 =	simm.s32 @p1 $0x140;
	s20 =	simm.s32 @p1 $0x480;
	[sflag:s19] =	ssyncadd.s32 @p1 $0xFFFF6000  }
0x4c: {  	[spmem:s1] =	stream.indirect.scatter.add.f32 @p1 [tilespmem:s9], [sflag:$0x6], $0x80, s20, s10, $0xb8;
	[tilespmem:$0x1EA40] =	vst v63  }
0x4d: {  	s19 =	simm.s32 @p1 $0x6;
	s9 =	simm.s32 @p1 $0x14780  }
0x4e: {  	[spmem:s3] =	stream.indirect.scatter.add.f32 @p1 [tilespmem:s9], [sflag:$0x8], $0x1, s20, s10, $0xb8;
	[tilespmem:$0x1EA40] =	vst v63  }
0x4f: {  	_ =	swait.ge @p1 [sflag:s19], $0xA000  }
0x50: {  	[sflag:s19] =	ssyncset.done @p1 $0x0  }
0x51: {  	s9 =	simm.s32 @p1 $0x8;
	[sflag:s19] =	ssyncadd.s32 @p1 $0xFFFF6000  }
0x52: {  	_ =	swait.ge @p1 [sflag:s9], $0x140  }
0x53: {  	p3 =	por p3, !p1;
	p0 =	sle.u32 @!p2 s11, $0x1;
	[sflag:s9] =	ssyncset.done @p1 $0x0  }
0x54: {  	s10 =	simm.s32 @!p3 $0x0;
	s19 =	simm.s32 @!p3 $0x180;
	[sflag:s9] =	ssyncadd.s32 @p1 $0xFFFFFEC0  }
0x55: {  	[tilespmem:s19], [sflag:$0x2] =	stream.linear.gather @!p3 [hbm4b:s6+s10], $0x140, $0x38;
	[tilespmem:$0x1EA40] =	vst v63  }
0x56: {  	p0 =	por p0, p1;
	s9 =	simm.s32 @!p3 $0x480  }
0x57: {  	[tilespmem:s9], [sflag:$0x2] =	stream.linear.gather @!p3 [hbm4b:s7+s10], $0x140, $0x38;
	[tilespmem:$0x1EA40] =	vst v63  }
0x58: {  	s9 =	simm.s32 @!p0 $0x2  }
0x59: {  	_ =	swait.ge @!p0 [sflag:s9], $0x140  }
0x5a: {  	[sflag:s9] =	ssyncset.done @!p0 $0x0  }
0x5b: {  	s30 =	simm.s32 $0x2;
	p5 =	por $0x1, $0x1;
	[sflag:s9] =	ssyncadd.s32 @!p0 $0xFFFFFEC0  }
0x5c: {  	s29 =	simm.s32 @!p1 $0x5;
	s12 =	simm.s32 @!p5 $0x0;
	_ =	swait.ge @!p0 [sflag:s9], $0x140  }
0x5d: {  	s26 =	simm.s32 @!p0 $0x180;
	s20 =	simm.s32 @!p0 $0x140;
	[sflag:s9] =	ssyncset.done @!p0 $0x0  }
0x5e: {  	s19 =	simm.s32 @!p1 $0x3;
	s10 =	simm.s32 @!p0 $0xA600;
	[sflag:s9] =	ssyncadd.s32 @!p0 $0xFFFFFEC0  }
0x5f: {  	[tilespmem:s10], [sflag:$0x4] =	stream.indirect.gather @!p0 [hbm4b:s0+s20], $0x80, s26, s20, $0xb8;
	[tilespmem:$0x1EA40] =	vst v63  }
0x60: {  	s12 =	simm.s32 @p5 $0x1;
	p2 =	sle.u32 @!p2 s11, $0x2;
	_ =	swait.ge @!p1 [sflag:s19], $0xA000  }
0x61: {  	p6 =	por p2, p1;
	s9 =	simm.s32 @!p1 $0x600;
	[sflag:s19] =	ssyncset.done @!p1 $0x0  }
0x62: {  	s10 =	simm.s32 @!p1 $0x140;
	s26 =	simm.s32 @!p1 $0x300;
	[sflag:s19] =	ssyncadd.s32 @!p1 $0xFFFF6000  }
0x63: {  	[spmem:s1] =	stream.indirect.scatter.add.f32 @!p1 [tilespmem:s9], [sflag:$0x5], $0x80, s26, s10, $0xb8;
	[tilespmem:$0x1EA40] =	vst v63  }
0x64: {  	p0 =	sne.s32 s11, $0x2;
	s20 =	sadd.s32 $0x500, s7;
	s9 =	simm.s32 @!p1 $0x14600  }
0x65: {  	[spmem:s3] =	stream.indirect.scatter.add.f32 @!p1 [tilespmem:s9], [sflag:$0x7], $0x1, s26, s10, $0xb8;
	[tilespmem:$0x1EA40] =	vst v63  }
.Ltmp1:
0x66: {  	s19 =	sadd.s32 $0x500, s6;
	_ =	swait.ge @!p1 [sflag:s29], $0xA000;
	(pc) =	sbr.rel @!p0 .LBB2_4-.Ltmp1, $4  }
0x67: {  	s9 =	simm.s32 @!p1 $0x7;
	s26 =	sand.u32 $0x1, s25;
	[sflag:s29] =	ssyncset.done @!p1 $0x0  }
0x68: {  	s10 =	simm.s32 @!p6 $0x300;
	p2 =	seq.s32 s26, $0x1;
	[sflag:s29] =	ssyncadd.s32 @!p1 $0xFFFF6000  }
0x69: {  	s26 =	smov.u32 s6;
	p4 =	sle.u32 @p2 s11, $0x2;
	_ =	swait.ge @!p1 [sflag:s9], $0x140  }
0x6a: {  	p3 =	sle.u32 @p2 s11, $0x3;
	s29 =	smov.u32 s7;
	[smem:$0x7FC] =	sst s12  }
.LBB2_5:
0x6b: {  	p0 =	por p4, !p2  }
0x6c: {  	s12 =	sadd.s32 @!p2 $0x1, s25;
	[sflag:s9] =	ssyncset.done @!p1 $0x0;
	s13 =	smov.u32 s30  }
0x6d: {  	p4 =	sge.u32 @!p2 s12, s11;
	[sflag:s9] =	ssyncadd.s32 @!p1 $0xFFFFFEC0;
	s9 =	simm.s32 @!p6 $0x0  }
0x6e: {  	[tilespmem:s9], [sflag:$0x1] =	stream.linear.gather @!p6 [hbm4b:s26+s9], $0x140, $0x38;
	[tilespmem:$0x1EA40] =	vst v63  }
0x6f: {  	s30 =	sadd.s32 $0x1, s30;
	s25 =	sadd.s32 @!p2 $0x2, s25;
	s12 =	simm.s32 @!p0 $0x1  }
0x70: {  	[tilespmem:s10], [sflag:$0x1] =	stream.linear.gather @!p6 [hbm4b:s29+s9], $0x140, $0x38;
	[tilespmem:$0x1EA40] =	vst v63  }
0x71: {  	p5 =	sne.s32 s11, s30;
	p6 =	sge.u32 @!p2 s25, s11;
	_ =	swait.ge @!p0 [sflag:s12], $0x140  }
0x72: {  	s26 =	smov.u32 s19;
	s25 =	smov.u32 s13;
	[sflag:s12] =	ssyncset.done @!p0 $0x0  }
0x73: {  	p1 =	por p2, p2;
	s29 =	smov.u32 s20;
	[sflag:s12] =	ssyncadd.s32 @!p0 $0xFFFFFEC0  }
0x74: {  	s9 =	simm.s32 @!p0 $0x600;
	s10 =	simm.s32 @p1 $0x4;
	_ =	swait.ge @!p0 [sflag:s12], $0x140  }
0x75: {  	s14 =	simm.s32 @!p0 $0x0;
	s13 =	simm.s32 @!p0 $0x140;
	[sflag:s12] =	ssyncset.done @!p0 $0x0  }
0x76: {  	[sflag:s12] =	ssyncadd.s32 @!p0 $0xFFFFFEC0  }
0x77: {  	[tilespmem:s9], [sflag:$0x3] =	stream.indirect.gather @!p0 [hbm4b:s0+s13], $0x80, s14, s13, $0xb8;
	[tilespmem:$0x1EA40] =	vst v63  }
0x78: {  	s9 =	simm.s32 @p1 $0xA600;
	_ =	swait.ge @p1 [sflag:s10], $0xA000  }
0x79: {  	s12 =	simm.s32 @p1 $0x140;
	s13 =	simm.s32 @p1 $0x480;
	[sflag:s10] =	ssyncset.done @p1 $0x0  }
0x7a: {  	[sflag:s10] =	ssyncadd.s32 @p1 $0xFFFF6000  }
0x7b: {  	[spmem:s1] =	stream.indirect.scatter.add.f32 @p1 [tilespmem:s9], [sflag:$0x6], $0x80, s13, s12, $0xb8;
	[tilespmem:$0x1EA40] =	vst v63  }
0x7c: {  	s10 =	simm.s32 @p1 $0x6;
	s9 =	simm.s32 @p1 $0x14780  }
0x7d: {  	[spmem:s3] =	stream.indirect.scatter.add.f32 @p1 [tilespmem:s9], [sflag:$0x8], $0x1, s13, s12, $0xb8;
	[tilespmem:$0x1EA40] =	vst v63  }
0x7e: {  	_ =	swait.ge @p1 [sflag:s10], $0xA000  }
0x7f: {  	s9 =	simm.s32 @p1 $0x8;
	[sflag:s10] =	ssyncset.done @p1 $0x0  }
0x80: {  	[sflag:s10] =	ssyncadd.s32 @p1 $0xFFFF6000  }
0x81: {  	p2 =	por p3, !p1;
	_ =	swait.ge @p1 [sflag:s9], $0x140  }
0x82: {  	s12 =	simm.s32 @!p2 $0x180;
	s10 =	simm.s32 @!p2 $0x0;
	[sflag:s9] =	ssyncset.done @p1 $0x0  }
0x83: {  	[sflag:s9] =	ssyncadd.s32 @p1 $0xFFFFFEC0  }
0x84: {  	[tilespmem:s12], [sflag:$0x2] =	stream.linear.gather @!p2 [hbm4b:s19+s10], $0x140, $0x38;
	[tilespmem:$0x1EA40] =	vst v63  }
0x85: {  	p0 =	por p4, p1;
	s9 =	simm.s32 @!p2 $0x480  }
0x86: {  	[tilespmem:s9], [sflag:$0x2] =	stream.linear.gather @!p2 [hbm4b:s20+s10], $0x140, $0x38;
	[tilespmem:$0x1EA40] =	vst v63  }
0x87: {  	s9 =	simm.s32 @!p0 $0x2  }
0x88: {  	_ =	swait.ge @!p0 [sflag:s9], $0x140  }
0x89: {  	[sflag:s9] =	ssyncset.done @!p0 $0x0  }
0x8a: {  	[sflag:s9] =	ssyncadd.s32 @!p0 $0xFFFFFEC0  }
0x8b: {  	s12 =	simm.s32 @!p1 $0x3;
	s10 =	simm.s32 @!p0 $0xA600;
	_ =	swait.ge @!p0 [sflag:s9], $0x140  }
0x8c: {  	s14 =	simm.s32 @!p0 $0x180;
	s13 =	simm.s32 @!p0 $0x140;
	[sflag:s9] =	ssyncset.done @!p0 $0x0  }
0x8d: {  	[sflag:s9] =	ssyncadd.s32 @!p0 $0xFFFFFEC0  }
0x8e: {  	[tilespmem:s10], [sflag:$0x4] =	stream.indirect.gather @!p0 [hbm4b:s0+s13], $0x80, s14, s13, $0xb8;
	[tilespmem:$0x1EA40] =	vst v63  }
0x8f: {  	s9 =	simm.s32 @!p1 $0x600;
	_ =	swait.ge @!p1 [sflag:s12], $0xA000  }
0x90: {  	s10 =	simm.s32 @!p1 $0x140;
	s13 =	simm.s32 @!p1 $0x300;
	[sflag:s12] =	ssyncset.done @!p1 $0x0  }
0x91: {  	s19 =	sadd.s32 $0x500, s19;
	s20 =	sadd.s32 $0x500, s20;
	[sflag:s12] =	ssyncadd.s32 @!p1 $0xFFFF6000  }
0x92: {  	[spmem:s1] =	stream.indirect.scatter.add.f32 @!p1 [tilespmem:s9], [sflag:$0x5], $0x80, s13, s10, $0xb8;
	[tilespmem:$0x1EA40] =	vst v63  }
0x93: {  	s14 =	simm.s32 @!p1 $0x5;
	s12 =	simm.s32 @!p1 $0x14600;
	s9 =	simm.s32 @!p1 $0x7  }
0x94: {  	[spmem:s3] =	stream.indirect.scatter.add.f32 @!p1 [tilespmem:s12], [sflag:$0x7], $0x1, s13, s10, $0xb8;
	[tilespmem:$0x1EA40] =	vst v63  }
.Ltmp2:
0x95: {  	_ = 	snop;
	(pc) =	sbr.rel @p5 .LBB2_5-.Ltmp2, $4  }
0x96: {  	p6 =	por p6, p1;
	s10 =	sand.u32 $0x1, s25;
	_ =	swait.ge @!p1 [sflag:s14], $0xA000  }
0x97: {  	p2 =	seq.s32 s10, $0x1;
	s10 =	simm.s32 @!p6 $0x300;
	[sflag:s14] =	ssyncset.done @!p1 $0x0  }
0x98: {  	s12 =	sadd.s32 @p2 $0x1, s25;
	s13 =	sadd.s32 @p2 $0x2, s25;
	[sflag:s14] =	ssyncadd.s32 @!p1 $0xFFFF6000  }
0x99: {  	p4 =	sge.u32 @p2 s12, s11;
	p3 =	sge.u32 @p2 s13, s11;
	_ =	swait.ge @!p1 [sflag:s9], $0x140  }
.LBB2_6:
0x9a: {  	s12 =	sld [smem:$0x7FC];
	_ =	sdelay $0x2  }
0x9b: {  	p5 =	seq.s32 s12, $0x1  }
0x9c: {  	p0 =	por p1, !p5  }
0x9d: {  	p1 =	por p6, !p5;
	[sflag:s9] =	ssyncset.done @!p0 $0x0  }
0x9e: {  	[sflag:s9] =	ssyncadd.s32 @!p0 $0xFFFFFEC0;
	s9 =	simm.s32 @!p1 $0x0  }
0x9f: {  	[tilespmem:s9], [sflag:$0x1] =	stream.linear.gather @!p1 [hbm4b:s26+s9], $0x140, $0x38;
	[tilespmem:$0x1EA40] =	vst v63  }
0xa0: {  	p0 =	por p4, !p2  }
0xa1: {  	[tilespmem:s10], [sflag:$0x1] =	stream.linear.gather @!p1 [hbm4b:s29+s9], $0x140, $0x38;
	[tilespmem:$0x1EA40] =	vst v63  }
0xa2: {  	s9 =	simm.s32 @!p0 $0x1  }
0xa3: {  	_ =	swait.ge @!p0 [sflag:s9], $0x140  }
0xa4: {  	[sflag:s9] =	ssyncset.done @!p0 $0x0  }
0xa5: {  	[sflag:s9] =	ssyncadd.s32 @!p0 $0xFFFFFEC0  }
0xa6: {  	s12 =	simm.s32 @!p0 $0x140;
	_ =	swait.ge @!p0 [sflag:s9], $0x140  }
0xa7: {  	s13 =	simm.s32 @!p0 $0x0;
	p1 =	por p2, p2;
	[sflag:s9] =	ssyncset.done @!p0 $0x0  }
0xa8: {  	s10 =	simm.s32 @!p0 $0x600;
	[sflag:s9] =	ssyncadd.s32 @!p0 $0xFFFFFEC0;
	s9 =	simm.s32 @p1 $0x4  }
0xa9: {  	[tilespmem:s10], [sflag:$0x3] =	stream.indirect.gather @!p0 [hbm4b:s0+s12], $0x80, s13, s12, $0xb8;
	[tilespmem:$0x1EA40] =	vst v63  }
0xaa: {  	_ =	swait.ge @p1 [sflag:s9], $0xA000  }
0xab: {  	s10 =	simm.s32 @p1 $0xA600;
	[sflag:s9] =	ssyncset.done @p1 $0x0  }
0xac: {  	s12 =	simm.s32 @p1 $0x140;
	s13 =	simm.s32 @p1 $0x480;
	[sflag:s9] =	ssyncadd.s32 @p1 $0xFFFF6000  }
0xad: {  	[spmem:s1] =	stream.indirect.scatter.add.f32 @p1 [tilespmem:s10], [sflag:$0x6], $0x80, s13, s12, $0xb8;
	[tilespmem:$0x1EA40] =	vst v63  }
0xae: {  	s9 =	simm.s32 @p1 $0x14780;
	s10 =	simm.s32 @p1 $0x6  }
0xaf: {  	[spmem:s3] =	stream.indirect.scatter.add.f32 @p1 [tilespmem:s9], [sflag:$0x8], $0x1, s13, s12, $0xb8;
	[tilespmem:$0x1EA40] =	vst v63  }
0xb0: {  	_ =	swait.ge @p1 [sflag:s10], $0xA000  }
0xb1: {  	[sflag:s10] =	ssyncset.done @p1 $0x0  }
0xb2: {  	s9 =	simm.s32 @p1 $0x8;
	[sflag:s10] =	ssyncadd.s32 @p1 $0xFFFF6000  }
0xb3: {  	_ =	swait.ge @p1 [sflag:s9], $0x140  }
0xb4: {  	p0 =	por p3, !p1;
	[sflag:s9] =	ssyncset.done @p1 $0x0  }
0xb5: {  	s12 =	simm.s32 @!p0 $0x180;
	s10 =	simm.s32 @!p0 $0x0;
	[sflag:s9] =	ssyncadd.s32 @p1 $0xFFFFFEC0  }
0xb6: {  	[tilespmem:s12], [sflag:$0x2] =	stream.linear.gather @!p0 [hbm4b:s19+s10], $0x140, $0x38;
	[tilespmem:$0x1EA40] =	vst v63  }
0xb7: {  	s9 =	sadd.s32 @!p2 $0x1, s25;
	s12 =	simm.s32 @!p0 $0x480  }
0xb8: {  	[tilespmem:s12], [sflag:$0x2] =	stream.linear.gather @!p0 [hbm4b:s20+s10], $0x140, $0x38;
	[tilespmem:$0x1EA40] =	vst v63  }
0xb9: {  	p0 =	sge.u32 @!p2 s9, s11  }
0xba: {  	p0 =	por p0, p1  }
0xbb: {  	s9 =	simm.s32 @!p0 $0x2  }
0xbc: {  	_ =	swait.ge @!p0 [sflag:s9], $0x140  }
0xbd: {  	[sflag:s9] =	ssyncset.done @!p0 $0x0  }
0xbe: {  	[sflag:s9] =	ssyncadd.s32 @!p0 $0xFFFFFEC0  }
0xbf: {  	_ =	swait.ge @!p0 [sflag:s9], $0x140  }
0xc0: {  	s10 =	simm.s32 @!p0 $0xA600;
	s12 =	simm.s32 @!p0 $0x140;
	[sflag:s9] =	ssyncset.done @!p0 $0x0  }
0xc1: {  	s13 =	simm.s32 @!p0 $0x180;
	[sflag:s9] =	ssyncadd.s32 @!p0 $0xFFFFFEC0;
	s9 =	simm.s32 @!p1 $0x3  }
0xc2: {  	[tilespmem:s10], [sflag:$0x4] =	stream.indirect.gather @!p0 [hbm4b:s0+s12], $0x80, s13, s12, $0xb8;
	[tilespmem:$0x1EA40] =	vst v63  }
0xc3: {  	_ =	swait.ge @!p1 [sflag:s9], $0xA000  }
0xc4: {  	s10 =	simm.s32 @!p1 $0x600;
	[sflag:s9] =	ssyncset.done @!p1 $0x0  }
0xc5: {  	s12 =	simm.s32 @!p1 $0x140;
	s13 =	simm.s32 @!p1 $0x300;
	[sflag:s9] =	ssyncadd.s32 @!p1 $0xFFFF6000  }
0xc6: {  	[spmem:s1] =	stream.indirect.scatter.add.f32 @!p1 [tilespmem:s10], [sflag:$0x5], $0x80, s13, s12, $0xb8;
	[tilespmem:$0x1EA40] =	vst v63  }
0xc7: {  	s9 =	simm.s32 @!p1 $0x14600;
	s10 =	simm.s32 @!p1 $0x5  }
0xc8: {  	[spmem:s3] =	stream.indirect.scatter.add.f32 @!p1 [tilespmem:s9], [sflag:$0x7], $0x1, s13, s12, $0xb8;
	[tilespmem:$0x1EA40] =	vst v63  }
0xc9: {  	_ =	swait.ge @!p1 [sflag:s10], $0xA000  }
0xca: {  	[sflag:s10] =	ssyncset.done @!p1 $0x0  }
0xcb: {  	s9 =	sadd.s32 @!p2 $0x2, s25;
	s12 =	simm.s32 @!p1 $0x7;
	[sflag:s10] =	ssyncadd.s32 @!p1 $0xFFFF6000  }
0xcc: {  	p0 =	sge.u32 @!p2 s9, s11;
	_ =	swait.ge @!p1 [sflag:s12], $0x140  }
0xcd: {  	p0 =	por p0, p1;
	[sflag:s12] =	ssyncset.done @!p1 $0x0  }
0xce: {  	s9 =	simm.s32 @!p0 $0x0;
	[sflag:s12] =	ssyncadd.s32 @!p1 $0xFFFFFEC0  }
0xcf: {  	[tilespmem:s9], [sflag:$0x1] =	stream.linear.gather @!p0 [hbm4b:s19+s9], $0x140, $0x38;
	[tilespmem:$0x1EA40] =	vst v63  }
0xd0: {  	s10 =	simm.s32 @!p0 $0x300  }
0xd1: {  	[tilespmem:s10], [sflag:$0x1] =	stream.linear.gather @!p0 [hbm4b:s20+s9], $0x140, $0x38;
	[tilespmem:$0x1EA40] =	vst v63  }
0xd2: {  	s9 =	sor.u32 $0x1C0A, s8;
	[bflag:$0x0] =	sbarrier.arrive $0xFFFF  }
0xd3: {  	[hbm:s16], [sflag:s9] =	dma.local [spmem:s24], $0x1400  }
0xd4: {  	_ =	swait.ge [sflag:s22], $0x1400  }
0xd5: {  	s30 =	sld [smem:$0x7FD];
	_ =	sdelay $0x1  }
0xd6: {  	s2 =	sadd.s32 $0x1, s2;
	[sflag:s22] =	ssyncset.done $0x0  }
0xd7: {  	p0 =	sne.s32 s2, s18;
	[sflag:s22] =	ssyncadd.s32 $0xFFFFEC00;
	p1 =	seq.s32 s30, $0x1  }
0xd8: {  	s10 =	simm.s32 @!p1 $0x1;
	s12 =	simm.s32 @!p1 $0x80;
	s13 =	simm.s32 @!p1 $0x10  }
0xd9: {  	[hbm:s17@s12], [sflag:s9] =	dma.strided @!p1 [spmem:s23@s13], $0x280, s10, $0x10   }
.Ltmp3:
0xda: {  	_ = 	snop;
	(pc) =	sbr.rel @p0 .LBB2_1-.Ltmp3, $4  }
.Ltmp4:
0xdb: {  	_ = 	snop;
	(pc) =	sbr.rel @!p0 .LBB2_7-.Ltmp4, $4  }
0xdc: {  	_ =	swait.ge @!p1 [sflag:s21], $0x280  }
0xdd: {  	[sflag:s21] =	ssyncset.done @!p1 $0x0  }
0xde: {  	[sflag:s21] =	ssyncadd.s32 @!p1 $0xFFFFFD80  }
0xdf: {  	_ = 	snop  }
.LBB2_2:
.Ltmp5:
0xe0: {  	(pc) =	sbr.rel .LBB2_6-.Ltmp5, $4  }
0xe1: {  	p0 =	por $0x0, $0x0  }
0xe2: {  	s9 =	simm.s32 @!p0 $0x0  }
0xe3: {  	s25 =	simm.s32 $0x0;
	s9 =	simm.s32 @p0 $0x1  }
0xe4: {  	s19 =	smov.u32 s6;
	s20 =	smov.u32 s7;
	[smem:$0x7FC] =	sst s9  }
.LBB2_4:
.Ltmp6:
0xe5: {  	(pc) =	sbr.rel .LBB2_6-.Ltmp6, $2  }
0xe6: {  	_ =	sdelay $0x2  }
0xe7: {  	s26 =	smov.u32 s6;
	s29 =	smov.u32 s7  }
.LBB2_7:
0xe8: {  	_ =	sfence.sel $0x180000  }
0xe9: {  	[bflag:$0x0] =	sbarrier.arrive $0xFFFF  }
0xea: {  	_ =	strace $0x90000047  }
0xeb: {  	[bflag:$0x2] =	sbarrier.arrive $0xFFFF  }
0xec: {  	s0 =	rddreg [dreg:$0x6]  }
0xed: {  	s0 =	sadd.s32 @!p1 $0x100000, s0  }
0xee: {  	[sflag:s0] =	ssyncadd.tile.s32 @!p1 $0x1;
	_ =	shalt  }
.Lfunc_end2:
_tile_overlayer_lowered:
.L_overlay_start_2:
0xef: {  	(tag) =	ssettag $0x2  }
0xf0: {  	s0 =	rddreg [dreg:$0x0];
	s2 =	stileid.u32  }
0xf1: {  	s1 =	rddreg [dreg:$0x1];
	p0 =	sne.s32 s2, $0x0  }
0xf2: {  	s3 =	rddreg [dreg:$0x2];
	[bflag:$0x3] =	sbarrier.arrive $0xFFFF;
	s2 =	simm.s32 @!p0 $0x1C0A  }
0xf3: {  	[timem:s3], [sflag:s2] =	dma.local @!p0 [hbm:s0], s1  }
0xf4: {  	s0 =	simm.s32 @!p0 $0xA  }
0xf5: {  	_ =	swait.ge @!p0 [sflag:s0], s1  }
0xf6: {  	s1 =	ssub.s32 @!p0 $0x0, s1;
	[sflag:s0] =	ssyncset.done @!p0 $0x0  }
0xf7: {  	[sflag:s0] =	ssyncadd.s32 @!p0 s1  }
0xf8: {  	[bflag:$0x3] =	sbarrier.arrive $0xFFFF  }
0xf9: {  	_ =	shalt  }

</sc_bundles>
